<compile_context>
chip_gen: v7x
topology: tpu7x:2x2x1
jax: 0.10.2.dev20260603
libtpu: 0.0.44.dev20260713+nightly
codegen_flags: <defaults>
</compile_context>

<pallas_src>
import functools

import jax
import jax.numpy as jnp
from jax import lax
from jax.experimental import pallas as pl
from jax.experimental.pallas import tpu as pltpu
from jax.experimental.pallas import tpu_sc as plsc

N = 10000
E = 320000
D = 128
FC = 128
C = 10
B = 64

K = 80
NSUB = 16
RPW = 632
NP = RPW * NSUB
R = 1000


def _sc_agg0_body(x_hbm, src_hbm, dst_hbm, zrows_hbm, ones_hbm,
                  acc_out, deg_out,
                  src_a, dst_a, src_b, dst_b, rows_a, rows_b, ones_v,
                  acc_s, sem_a, sem_b):
    c = lax.axis_index("c")
    s = lax.axis_index("s")
    r0 = s * RPW
    pltpu.sync_copy(zrows_hbm.at[pl.ds(r0, RPW)], acc_s.at[pl.ds(r0, RPW)])
    pltpu.sync_copy(ones_hbm, ones_v)
    plsc.subcore_barrier()

    epw = E // 32
    base = c * (E // 2) + s * epw
    steps = epw // K

    def step2(i, carry):
        t0 = base + 2 * i * K
        pltpu.sync_copy(src_hbm.at[pl.ds(t0, K)], src_a)
        pltpu.sync_copy(dst_hbm.at[pl.ds(t0, K)], dst_a)
        ha = pltpu.async_copy(x_hbm.at[src_a], rows_a, sem_a)
        pltpu.sync_copy(src_hbm.at[pl.ds(t0 + K, K)], src_b)
        pltpu.sync_copy(dst_hbm.at[pl.ds(t0 + K, K)], dst_b)
        hb = pltpu.async_copy(x_hbm.at[src_b], rows_b, sem_b)
        ha.wait()
        pltpu.sync_copy(rows_a, acc_s.at[dst_a], add=True)
        hb.wait()
        pltpu.sync_copy(rows_b, acc_s.at[dst_b], add=True)
        return carry

    lax.fori_loop(0, steps // 2, step2, 0)
    t_last = base + (steps - 1) * K
    pltpu.sync_copy(src_hbm.at[pl.ds(t_last, K)], src_a)
    pltpu.sync_copy(dst_hbm.at[pl.ds(t_last, K)], dst_a)
    pltpu.async_copy(x_hbm.at[src_a], rows_a, sem_a).wait()
    pltpu.sync_copy(rows_a, acc_s.at[dst_a], add=True)

    plsc.subcore_barrier()
    pltpu.sync_copy(acc_s.at[pl.ds(r0, RPW)], acc_out.at[c, pl.ds(r0, RPW)])
    plsc.subcore_barrier()

    pltpu.sync_copy(zrows_hbm.at[pl.ds(r0, RPW)], acc_s.at[pl.ds(r0, RPW)])
    plsc.subcore_barrier()

    def dstep2(i, carry):
        t0 = base + 2 * i * K
        ia = pltpu.async_copy(dst_hbm.at[pl.ds(t0, K)], dst_a, sem_a)
        ib = pltpu.async_copy(dst_hbm.at[pl.ds(t0 + K, K)], dst_b, sem_b)
        ia.wait()
        pltpu.sync_copy(ones_v, acc_s.at[dst_a], add=True)
        ib.wait()
        pltpu.sync_copy(ones_v, acc_s.at[dst_b], add=True)
        return carry

    lax.fori_loop(0, steps // 2, dstep2, 0)
    pltpu.sync_copy(dst_hbm.at[pl.ds(base + (steps - 1) * K, K)], dst_a)
    pltpu.sync_copy(ones_v, acc_s.at[dst_a], add=True)
    plsc.subcore_barrier()
    pltpu.sync_copy(acc_s.at[pl.ds(r0, RPW)], deg_out.at[c, pl.ds(r0, RPW)])


def _sc_agg1_body(m_hbm, v_hbm, src_hbm, dst_hbm, zrows_hbm,
                  agg_out,
                  src_a, dst_a, src_b, dst_b, rows_a, rows_b,
                  acc_s, sem_a, sem_b):
    c = lax.axis_index("c")
    s = lax.axis_index("s")
    r0 = s * RPW
    pltpu.sync_copy(zrows_hbm.at[pl.ds(r0, RPW)], acc_s.at[pl.ds(r0, RPW)])
    plsc.subcore_barrier()

    epw = E // NSUB
    base = s * epw
    steps = epw // K

    def run(h_hbm):
        def step2(i, carry):
            t0 = base + 2 * i * K
            pltpu.sync_copy(src_hbm.at[pl.ds(t0, K)], src_a)
            pltpu.sync_copy(dst_hbm.at[pl.ds(t0, K)], dst_a)
            ha = pltpu.async_copy(h_hbm.at[src_a], rows_a, sem_a)
            pltpu.sync_copy(src_hbm.at[pl.ds(t0 + K, K)], src_b)
            pltpu.sync_copy(dst_hbm.at[pl.ds(t0 + K, K)], dst_b)
            hb = pltpu.async_copy(h_hbm.at[src_b], rows_b, sem_b)
            ha.wait()
            pltpu.sync_copy(rows_a, acc_s.at[dst_a], add=True)
            hb.wait()
            pltpu.sync_copy(rows_b, acc_s.at[dst_b], add=True)
            return carry
        lax.fori_loop(0, steps // 2, step2, 0)

    @pl.when(c == 0)
    def _():
        run(m_hbm)

    @pl.when(c == 1)
    def _():
        run(v_hbm)

    plsc.subcore_barrier()
    pltpu.sync_copy(acc_s.at[pl.ds(r0, RPW)], agg_out.at[c, pl.ds(r0, RPW)])


@functools.lru_cache(maxsize=None)
def _sc_kernels():
    mesh = plsc.VectorSubcoreMesh(core_axis_name="c", subcore_axis_name="s")
    agg0 = pl.kernel(
        _sc_agg0_body,
        mesh=mesh,
        out_type=[
            jax.ShapeDtypeStruct((2, NP, D), jnp.float32),
            jax.ShapeDtypeStruct((2, NP, D), jnp.float32),
        ],
        scratch_types=[
            pltpu.VMEM((K,), jnp.int32),
            pltpu.VMEM((K,), jnp.int32),
            pltpu.VMEM((K,), jnp.int32),
            pltpu.VMEM((K,), jnp.int32),
            pltpu.VMEM((K, D), jnp.float32),
            pltpu.VMEM((K, D), jnp.float32),
            pltpu.VMEM((K, D), jnp.float32),
            pltpu.VMEM_SHARED((NP, D), jnp.float32),
            pltpu.SemaphoreType.DMA,
            pltpu.SemaphoreType.DMA,
        ],
    )
    agg1 = pl.kernel(
        _sc_agg1_body,
        mesh=mesh,
        out_type=jax.ShapeDtypeStruct((2, NP, D), jnp.float32),
        scratch_types=[
            pltpu.VMEM((K,), jnp.int32),
            pltpu.VMEM((K,), jnp.int32),
            pltpu.VMEM((K,), jnp.int32),
            pltpu.VMEM((K,), jnp.int32),
            pltpu.VMEM((K, D), jnp.float32),
            pltpu.VMEM((K, D), jnp.float32),
            pltpu.VMEM_SHARED((NP, D), jnp.float32),
            pltpu.SemaphoreType.DMA,
            pltpu.SemaphoreType.DMA,
        ],
    )
    return agg0, agg1


def _stage_a_body(x_ref, accp_ref, degp_ref,
                  mWl0_ref, mbl0_ref, mWr0_ref,
                  vWl0_ref, vbl0_ref, vWr0_ref,
                  m_ref, v_ref):
    deg = degp_ref[0, :, 0:1] + degp_ref[1, :, 0:1]
    agg = (accp_ref[0] + accp_ref[1]) / jnp.maximum(deg, 1.0)
    x = x_ref[...]
    m_ref[...] = jnp.maximum(
        jnp.dot(agg, mWl0_ref[...], preferred_element_type=jnp.float32)
        + mbl0_ref[...]
        + jnp.dot(x, mWr0_ref[...], preferred_element_type=jnp.float32), 0.0)
    v_ref[...] = jnp.maximum(
        jnp.dot(agg, vWl0_ref[...], preferred_element_type=jnp.float32)
        + vbl0_ref[...]
        + jnp.dot(x, vWr0_ref[...], preferred_element_type=jnp.float32), 0.0)


def _stage_a(x, accp, degp, mWl0, mbl0, mWr0, vWl0, vbl0, vWr0):
    w_spec = pl.BlockSpec((D, D), lambda i: (0, 0))
    b_spec = pl.BlockSpec((1, D), lambda i: (0, 0))
    return pl.pallas_call(
        _stage_a_body,
        grid=(N // R,),
        in_specs=[
            pl.BlockSpec((R, D), lambda i: (i, 0)),
            pl.BlockSpec((2, R, D), lambda i: (0, i, 0)),
            pl.BlockSpec((2, R, D), lambda i: (0, i, 0)),
            w_spec, b_spec, w_spec,
            w_spec, b_spec, w_spec,
        ],
        out_specs=[
            pl.BlockSpec((R, D), lambda i: (i, 0)),
            pl.BlockSpec((R, D), lambda i: (i, 0)),
        ],
        out_shape=[
            jax.ShapeDtypeStruct((N, D), jnp.float32),
            jax.ShapeDtypeStruct((N, D), jnp.float32),
        ],
        compiler_params=pltpu.CompilerParams(
            dimension_semantics=("arbitrary",)),
    )(x, accp, degp, mWl0, mbl0.reshape(1, D), mWr0,
      vWl0, vbl0.reshape(1, D), vWr0)


def _stage_b_body(batch_ref, m_ref, v_ref, agg_ref, degp_ref, eps_ref,
                  mWl1_ref, mbl1_ref, mWr1_ref,
                  vWl1_ref, vbl1_ref, vWr1_ref,
                  fc1W_ref, fc1b_ref, fc2W_ref, fc2b_ref,
                  mean_out, lv_out, logp_out,
                  pooled_scr, cnt_scr):
    i = pl.program_id(0)
    deg = degp_ref[0, :, 0:1] + degp_ref[1, :, 0:1]
    inv_deg = jnp.maximum(deg, 1.0)
    agg_m = agg_ref[0] / inv_deg
    agg_v = agg_ref[1] / inv_deg
    mean2 = jnp.maximum(
        jnp.dot(agg_m, mWl1_ref[...], preferred_element_type=jnp.float32)
        + mbl1_ref[...]
        + jnp.dot(m_ref[...], mWr1_ref[...],
                  preferred_element_type=jnp.float32), 0.0)
    lv2 = jnp.maximum(
        jnp.dot(agg_v, vWl1_ref[...], preferred_element_type=jnp.float32)
        + vbl1_ref[...]
        + jnp.dot(v_ref[...], vWr1_ref[...],
                  preferred_element_type=jnp.float32), 0.0)
    mean_out[...] = mean2
    lv_out[...] = lv2
    z = mean2 + eps_ref[...] * jnp.exp(0.5 * lv2)

    b = batch_ref[0, 0, :]
    onehot = (b[:, None] == lax.broadcasted_iota(jnp.int32, (R, B), 1)
              ).astype(jnp.float32)

    @pl.when(i == 0)
    def _():
        pooled_scr[...] = jnp.zeros((B, D), jnp.float32)
        cnt_scr[...] = jnp.zeros((B, D), jnp.float32)

    pooled_scr[...] += lax.dot_general(
        onehot, z, (((0,), (0,)), ((), ())),
        preferred_element_type=jnp.float32)
    cnt_scr[...] += jnp.broadcast_to(jnp.sum(onehot, axis=0)[:, None], (B, D))

    @pl.when(i == (N // R) - 1)
    def _():
        pooled = pooled_scr[...] / jnp.maximum(cnt_scr[...], 1.0)
        a = jnp.maximum(
            jnp.dot(pooled, fc1W_ref[...],
                    preferred_element_type=jnp.float32) + fc1b_ref[...], 0.0)
        logits = jnp.dot(a, fc2W_ref[...],
                         preferred_element_type=jnp.float32) + fc2b_ref[...]
        logp_out[...] = jax.nn.log_softmax(logits, axis=1)


def _stage_b(batch3, m, v, agg1, degp, eps,
             mWl1, mbl1, mWr1, vWl1, vbl1, vWr1, fc1W, fc1b, fc2W, fc2b):
    w_spec = pl.BlockSpec((D, D), lambda i: (0, 0))
    b_spec = pl.BlockSpec((1, D), lambda i: (0, 0))
    row_spec = pl.BlockSpec((R, D), lambda i: (i, 0))
    return pl.pallas_call(
        _stage_b_body,
        grid=(N // R,),
        in_specs=[
            pl.BlockSpec((1, 1, R), lambda i: (i, 0, 0)),
            row_spec, row_spec,
            pl.BlockSpec((2, R, D), lambda i: (0, i, 0)),
            pl.BlockSpec((2, R, D), lambda i: (0, i, 0)),
            row_spec,
            w_spec, b_spec, w_spec,
            w_spec, b_spec, w_spec,
            pl.BlockSpec((D, FC), lambda i: (0, 0)),
            pl.BlockSpec((1, FC), lambda i: (0, 0)),
            pl.BlockSpec((FC, C), lambda i: (0, 0)),
            pl.BlockSpec((1, C), lambda i: (0, 0)),
        ],
        out_specs=[
            row_spec, row_spec,
            pl.BlockSpec((B, C), lambda i: (0, 0)),
        ],
        out_shape=[
            jax.ShapeDtypeStruct((N, D), jnp.float32),
            jax.ShapeDtypeStruct((N, D), jnp.float32),
            jax.ShapeDtypeStruct((B, C), jnp.float32),
        ],
        scratch_shapes=[
            pltpu.VMEM((B, D), jnp.float32),
            pltpu.VMEM((B, D), jnp.float32),
        ],
        compiler_params=pltpu.CompilerParams(
            dimension_semantics=("arbitrary",)),
    )(batch3, m, v, agg1, degp, eps,
      mWl1, mbl1.reshape(1, D), mWr1, vWl1, vbl1.reshape(1, D), vWr1,
      fc1W, fc1b.reshape(1, FC), fc2W, fc2b.reshape(1, C))


def kernel(x, edge_index, batch,
           mWl0, mbl0, mWr0, mWl1, mbl1, mWr1,
           vWl0, vbl0, vWr0, vWl1, vbl1, vWr1,
           fc1W, fc1b, fc2W, fc2b):
    src = edge_index[0]
    dst = edge_index[1]
    zrows = jnp.zeros((NP, D), jnp.float32)
    ones_k = jnp.ones((K, D), jnp.float32)

    sc_agg0, sc_agg1 = _sc_kernels()
    accp, degp = sc_agg0(x, src, dst, zrows, ones_k)
    m, v = _stage_a(x, accp, degp, mWl0, mbl0, mWr0, vWl0, vbl0, vWr0)
    agg1 = sc_agg1(m, v, src, dst, zrows)

    eps = jax.random.normal(jax.random.key(42), (N, D), dtype=jnp.float32)
    batch3 = batch.reshape(N // R, 1, R)
    mean2, lv2, logp = _stage_b(
        batch3, m, v, agg1, degp, eps,
        mWl1, mbl1, mWr1, vWl1, vbl1, vWr1, fc1W, fc1b, fc2W, fc2b)
    return (logp, mean2, lv2)

# --- scband reference (transcript-rebuilt; emitter-appended) ---
"""Pipeline reference for scband-gaussian-graph-sage-59184649339057 (READ-ONLY COPY).

The authoritative reference and input builder live on the scoring server;
editing this copy changes nothing except your own understanding.
"""

import jax, jax.numpy as jnp
import numpy as np

N = 10000
E = 320000
D = 128
H = 128
FC = 128
C = 10
B = 64


def _w(key, shape):
    return jax.random.normal(key, shape, dtype=jnp.float32) * 0.05


def setup_inputs(seed: int = 0) -> dict:
    key = jax.random.key(seed)
    ks = jax.random.split(key, 24)
    x = jax.random.normal(ks[0], (N, D), dtype=jnp.float32)
    edge_index = jax.random.randint(ks[1], (2, E), 0, N, dtype=jnp.int32)
    batch = jnp.sort(jax.random.randint(ks[2], (N,), 0, B, dtype=jnp.int32))
    inp = {"x": x, "edge_index": edge_index, "batch": batch}
    # SAGEConv params: lin_l (with bias) applied to aggregated neighbors, lin_r (no bias) applied to root
    inp["mWl0"] = _w(ks[3], (D, H)); inp["mbl0"] = jnp.zeros((H,), jnp.float32); inp["mWr0"] = _w(ks[4], (D, H))
    inp["mWl1"] = _w(ks[5], (H, H)); inp["mbl1"] = jnp.zeros((H,), jnp.float32); inp["mWr1"] = _w(ks[6], (H, H))
    inp["vWl0"] = _w(ks[7], (D, H)); inp["vbl0"] = jnp.zeros((H,), jnp.float32); inp["vWr0"] = _w(ks[8], (D, H))
    inp["vWl1"] = _w(ks[9], (H, H)); inp["vbl1"] = jnp.zeros((H,), jnp.float32); inp["vWr1"] = _w(ks[10], (H, H))
    inp["fc1W"] = _w(ks[11], (H, FC)); inp["fc1b"] = jnp.zeros((FC,), jnp.float32)
    inp["fc2W"] = _w(ks[12], (FC, C)); inp["fc2b"] = jnp.zeros((C,), jnp.float32)
    return inp


def _sage(x, edge_index, Wl, bl, Wr):
    src = edge_index[0]
    dst = edge_index[1]
    msg = jnp.take(x, src, axis=0)
    agg = jax.ops.segment_sum(msg, dst, num_segments=N)
    deg = jax.ops.segment_sum(jnp.ones((edge_index.shape[1],), x.dtype), dst, num_segments=N)
    agg = agg / jnp.maximum(deg, 1.0)[:, None]
    return agg @ Wl + bl + x @ Wr


def reference(x, edge_index, batch,
              mWl0, mbl0, mWr0, mWl1, mbl1, mWr1,
              vWl0, vbl0, vWr0, vWl1, vbl1, vWr1,
              fc1W, fc1b, fc2W, fc2b):
    mean = jax.nn.relu(_sage(x, edge_index, mWl0, mbl0, mWr0))
    log_var = jax.nn.relu(_sage(x, edge_index, vWl0, vbl0, vWr0))
    mean = jax.nn.relu(_sage(mean, edge_index, mWl1, mbl1, mWr1))
    log_var = jax.nn.relu(_sage(log_var, edge_index, vWl1, vbl1, vWr1))
    # dropout is identity in eval mode
    std = jnp.exp(0.5 * log_var)
    eps = jax.random.normal(jax.random.key(42), std.shape, dtype=std.dtype)
    z = mean + eps * std
    # global_mean_pool over graphs
    s = jax.ops.segment_sum(z, batch, num_segments=B)
    cnt = jax.ops.segment_sum(jnp.ones((N,), z.dtype), batch, num_segments=B)
    z = s / jnp.maximum(cnt, 1.0)[:, None]
    z = jax.nn.relu(z @ fc1W + fc1b)
    z = z @ fc2W + fc2b
    return (jax.nn.log_softmax(z, axis=1), mean, log_var)

if __name__ == "__main__":
    import jax
    _d = setup_inputs()
    print(jax.jit(kernel)(*tuple(_d.values())))

</pallas_src>

<mosaic_0001>
#map = affine_map<(d0, d1) -> (0, 0)>
#map1 = affine_map<(d0, d1) -> (0)>
#map2 = affine_map<(d0, d1) -> (0, 0, 0)>
module attributes {stable_mosaic.version = 14 : i64} {
  func.func @_sc_agg1_body(%arg0: i32, %arg1: i32, %arg2: memref<10000x128xf32, #tpu.memory_space<hbm>>, %arg3: memref<10000x128xf32, #tpu.memory_space<hbm>>, %arg4: memref<320000xi32, #tpu.memory_space<hbm>>, %arg5: memref<320000xi32, #tpu.memory_space<hbm>>, %arg6: memref<10112x128xf32, #tpu.memory_space<hbm>>, %arg7: memref<2x10112x128xf32, #tpu.memory_space<hbm>>, %arg8: memref<80xi32, #tpu.memory_space<vmem>>, %arg9: memref<80xi32, #tpu.memory_space<vmem>>, %arg10: memref<80xi32, #tpu.memory_space<vmem>>, %arg11: memref<80xi32, #tpu.memory_space<vmem>>, %arg12: memref<80x128xf32, #tpu.memory_space<vmem>>, %arg13: memref<80x128xf32, #tpu.memory_space<vmem>>, %arg14: memref<10112x128xf32, #tpu.memory_space<vmem_shared>>, %arg15: memref<!tpu.dma_semaphore, #tpu.memory_space<semaphore_mem>>, %arg16: memref<!tpu.dma_semaphore, #tpu.memory_space<semaphore_mem>>) attributes {dimension_semantics = [#tpu.dimension_semantics<core_parallel>, #tpu.dimension_semantics<subcore_parallel>], iteration_bounds = array<i64: 2, 16>, scalar_prefetch = 0 : i64, scratch_operands = 9 : i64, tpu.core_type = #tpu.core_type<sc_vector_subcore>, window_params = [{transform_indices = #map}, {transform_indices = #map}, {transform_indices = #map1}, {transform_indices = #map1}, {transform_indices = #map}, {transform_indices = #map2}]} {
    %mul3A = arith.constant 632 : i32
    %mul3A_0 = arith.muli %arg1, %mul3A : i32
    "tpu.region"() ({
      %run_scoped3A = tpu.sem_alloc : memref<!tpu.dma_semaphore, #tpu.memory_space<semaphore_mem>>
      %dma_start3A = arith.constant 0 : i32
      %dma_start3A_11 = tpu.memref_slice %arg14[%mul3A_0, %dma_start3A] : memref<10112x128xf32, #tpu.memory_space<vmem_shared>> -> memref<632x128xf32, #tpu.memory_space<vmem_shared>>
      %dma_start3A_12 = arith.constant 0 : i32
      %dma_start3A_13 = tpu.memref_slice %arg6[%mul3A_0, %dma_start3A_12] : memref<10112x128xf32, #tpu.memory_space<hbm>> -> memref<632x128xf32, #tpu.memory_space<hbm>>
      tpu.enqueue_dma source(%dma_start3A_13 : memref<632x128xf32, #tpu.memory_space<hbm>>) target(%dma_start3A_11 : memref<632x128xf32, #tpu.memory_space<vmem_shared>>) target_semaphore(%run_scoped3A : memref<!tpu.dma_semaphore, #tpu.memory_space<semaphore_mem>>)
      %dma_wait3A = arith.constant 0 : i32
      %dma_wait3A_14 = tpu.memref_slice %arg14[%mul3A_0, %dma_wait3A] : memref<10112x128xf32, #tpu.memory_space<vmem_shared>> -> memref<632x128xf32, #tpu.memory_space<vmem_shared>>
      %dma_wait3A_15 = arith.constant 0 : i32
      %dma_wait3A_16 = tpu.memref_slice %arg6[%mul3A_0, %dma_wait3A_15] : memref<10112x128xf32, #tpu.memory_space<hbm>> -> memref<632x128xf32, #tpu.memory_space<hbm>>
      tpu.wait_dma2 semaphore(%run_scoped3A : memref<!tpu.dma_semaphore, #tpu.memory_space<semaphore_mem>>) src(%dma_wait3A_16 : memref<632x128xf32, #tpu.memory_space<hbm>>) dst(%dma_wait3A_14 : memref<632x128xf32, #tpu.memory_space<vmem_shared>>)
      tpu.yield
    }) : () -> ()
    %barrier3A = arith.constant 0 : index
    tpu.barrier barrier_id(%barrier3A)
    %mul3A_1 = arith.constant 20000 : i32
    %mul3A_2 = arith.muli %arg1, %mul3A_1 : i32
    %eq3A = arith.constant 0 : i32
    %eq3A_3 = arith.cmpi eq, %arg0, %eq3A : i32
    %convert_element_type3A = arith.extui %eq3A_3 : i1 to i32
    %cond3A = arith.constant 0 : i32
    %cond3A_4 = arith.cmpi ne, %convert_element_type3A, %cond3A : i32
    scf.if %cond3A_4 {
      %scan3A = arith.constant 0 : i32
      %scan3A_11 = arith.constant 0 : i32
      %scan3A_12 = arith.constant 125 : i32
      %scan3A_13 = arith.addi %scan3A_11, %scan3A_12 : i32
      %scan3A_14 = arith.constant 1 : i32
      scf.for %scan3A_16 = %scan3A_11 to %scan3A_13 step %scan3A_14  : i32 {
        %mul3A_17 = arith.constant 2 : i32
        %mul3A_18 = arith.muli %mul3A_17, %scan3A_16 : i32
        %mul3A_19 = arith.constant 80 : i32
        %mul3A_20 = arith.muli %mul3A_18, %mul3A_19 : i32
        %add3A = arith.addi %mul3A_2, %mul3A_20 : i32
        "tpu.region"() ({
          %run_scoped3A = tpu.sem_alloc : memref<!tpu.dma_semaphore, #tpu.memory_space<semaphore_mem>>
          %dma_start3A_35 = tpu.memref_slice %arg4[%add3A] : memref<320000xi32, #tpu.memory_space<hbm>> -> memref<80xi32, #tpu.memory_space<hbm>>
          %dma_start3A_36 = tpu.memref_slice %arg4[%add3A] : memref<320000xi32, #tpu.memory_space<hbm>> -> memref<80xi32, #tpu.memory_space<hbm>>
          tpu.enqueue_dma source(%dma_start3A_36 : memref<80xi32, #tpu.memory_space<hbm>>) target(%arg8 : memref<80xi32, #tpu.memory_space<vmem>>) target_semaphore(%run_scoped3A : memref<!tpu.dma_semaphore, #tpu.memory_space<semaphore_mem>>)
          %dma_wait3A_37 = tpu.memref_slice %arg4[%add3A] : memref<320000xi32, #tpu.memory_space<hbm>> -> memref<80xi32, #tpu.memory_space<hbm>>
          %dma_wait3A_38 = tpu.memref_slice %arg4[%add3A] : memref<320000xi32, #tpu.memory_space<hbm>> -> memref<80xi32, #tpu.memory_space<hbm>>
          tpu.wait_dma2 semaphore(%run_scoped3A : memref<!tpu.dma_semaphore, #tpu.memory_space<semaphore_mem>>) src(%dma_wait3A_38 : memref<80xi32, #tpu.memory_space<hbm>>) dst(%arg8 : memref<80xi32, #tpu.memory_space<vmem>>)
          tpu.yield
        }) : () -> ()
        "tpu.region"() ({
          %run_scoped3A = tpu.sem_alloc : memref<!tpu.dma_semaphore, #tpu.memory_space<semaphore_mem>>
          %dma_start3A_35 = tpu.memref_slice %arg5[%add3A] : memref<320000xi32, #tpu.memory_space<hbm>> -> memref<80xi32, #tpu.memory_space<hbm>>
          %dma_start3A_36 = tpu.memref_slice %arg5[%add3A] : memref<320000xi32, #tpu.memory_space<hbm>> -> memref<80xi32, #tpu.memory_space<hbm>>
          tpu.enqueue_dma source(%dma_start3A_36 : memref<80xi32, #tpu.memory_space<hbm>>) target(%arg9 : memref<80xi32, #tpu.memory_space<vmem>>) target_semaphore(%run_scoped3A : memref<!tpu.dma_semaphore, #tpu.memory_space<semaphore_mem>>)
          %dma_wait3A_37 = tpu.memref_slice %arg5[%add3A] : memref<320000xi32, #tpu.memory_space<hbm>> -> memref<80xi32, #tpu.memory_space<hbm>>
          %dma_wait3A_38 = tpu.memref_slice %arg5[%add3A] : memref<320000xi32, #tpu.memory_space<hbm>> -> memref<80xi32, #tpu.memory_space<hbm>>
          tpu.wait_dma2 semaphore(%run_scoped3A : memref<!tpu.dma_semaphore, #tpu.memory_space<semaphore_mem>>) src(%dma_wait3A_38 : memref<80xi32, #tpu.memory_space<hbm>>) dst(%arg9 : memref<80xi32, #tpu.memory_space<vmem>>)
          tpu.yield
        }) : () -> ()
        %dma_start3A = arith.constant 0 : i32
        %dma_start3A_21 = arith.constant 0 : i32
        %dma_start3A_22 = tpu.memref_slice %arg2[%dma_start3A, %dma_start3A_21] : memref<10000x128xf32, #tpu.memory_space<hbm>> -> memref<10000x128xf32, #tpu.memory_space<hbm>>
        tpu.enqueue_indirect_dma source(%dma_start3A_22 : memref<10000x128xf32, #tpu.memory_space<hbm>>) target(%arg12 : memref<80x128xf32, #tpu.memory_space<vmem>>) offsets(%arg8 : memref<80xi32, #tpu.memory_space<vmem>>) semaphore(%arg15 : memref<!tpu.dma_semaphore, #tpu.memory_space<semaphore_mem>>)
        %add3A_23 = arith.constant 80 : i32
        %add3A_24 = arith.addi %add3A, %add3A_23 : i32
        "tpu.region"() ({
          %run_scoped3A = tpu.sem_alloc : memref<!tpu.dma_semaphore, #tpu.memory_space<semaphore_mem>>
          %dma_start3A_35 = tpu.memref_slice %arg4[%add3A_24] : memref<320000xi32, #tpu.memory_space<hbm>> -> memref<80xi32, #tpu.memory_space<hbm>>
          %dma_start3A_36 = tpu.memref_slice %arg4[%add3A_24] : memref<320000xi32, #tpu.memory_space<hbm>> -> memref<80xi32, #tpu.memory_space<hbm>>
          tpu.enqueue_dma source(%dma_start3A_36 : memref<80xi32, #tpu.memory_space<hbm>>) target(%arg10 : memref<80xi32, #tpu.memory_space<vmem>>) target_semaphore(%run_scoped3A : memref<!tpu.dma_semaphore, #tpu.memory_space<semaphore_mem>>)
          %dma_wait3A_37 = tpu.memref_slice %arg4[%add3A_24] : memref<320000xi32, #tpu.memory_space<hbm>> -> memref<80xi32, #tpu.memory_space<hbm>>
          %dma_wait3A_38 = tpu.memref_slice %arg4[%add3A_24] : memref<320000xi32, #tpu.memory_space<hbm>> -> memref<80xi32, #tpu.memory_space<hbm>>
          tpu.wait_dma2 semaphore(%run_scoped3A : memref<!tpu.dma_semaphore, #tpu.memory_space<semaphore_mem>>) src(%dma_wait3A_38 : memref<80xi32, #tpu.memory_space<hbm>>) dst(%arg10 : memref<80xi32, #tpu.memory_space<vmem>>)
          tpu.yield
        }) : () -> ()
        %add3A_25 = arith.constant 80 : i32
        %add3A_26 = arith.addi %add3A, %add3A_25 : i32
        "tpu.region"() ({
          %run_scoped3A = tpu.sem_alloc : memref<!tpu.dma_semaphore, #tpu.memory_space<semaphore_mem>>
          %dma_start3A_35 = tpu.memref_slice %arg5[%add3A_26] : memref<320000xi32, #tpu.memory_space<hbm>> -> memref<80xi32, #tpu.memory_space<hbm>>
          %dma_start3A_36 = tpu.memref_slice %arg5[%add3A_26] : memref<320000xi32, #tpu.memory_space<hbm>> -> memref<80xi32, #tpu.memory_space<hbm>>
          tpu.enqueue_dma source(%dma_start3A_36 : memref<80xi32, #tpu.memory_space<hbm>>) target(%arg11 : memref<80xi32, #tpu.memory_space<vmem>>) target_semaphore(%run_scoped3A : memref<!tpu.dma_semaphore, #tpu.memory_space<semaphore_mem>>)
          %dma_wait3A_37 = tpu.memref_slice %arg5[%add3A_26] : memref<320000xi32, #tpu.memory_space<hbm>> -> memref<80xi32, #tpu.memory_space<hbm>>
          %dma_wait3A_38 = tpu.memref_slice %arg5[%add3A_26] : memref<320000xi32, #tpu.memory_space<hbm>> -> memref<80xi32, #tpu.memory_space<hbm>>
          tpu.wait_dma2 semaphore(%run_scoped3A : memref<!tpu.dma_semaphore, #tpu.memory_space<semaphore_mem>>) src(%dma_wait3A_38 : memref<80xi32, #tpu.memory_space<hbm>>) dst(%arg11 : memref<80xi32, #tpu.memory_space<vmem>>)
          tpu.yield
        }) : () -> ()
        %dma_start3A_27 = arith.constant 0 : i32
        %dma_start3A_28 = arith.constant 0 : i32
        %dma_start3A_29 = tpu.memref_slice %arg2[%dma_start3A_27, %dma_start3A_28] : memref<10000x128xf32, #tpu.memory_space<hbm>> -> memref<10000x128xf32, #tpu.memory_space<hbm>>
        tpu.enqueue_indirect_dma source(%dma_start3A_29 : memref<10000x128xf32, #tpu.memory_space<hbm>>) target(%arg13 : memref<80x128xf32, #tpu.memory_space<vmem>>) offsets(%arg10 : memref<80xi32, #tpu.memory_space<vmem>>) semaphore(%arg16 : memref<!tpu.dma_semaphore, #tpu.memory_space<semaphore_mem>>)
        %dma_wait3A = arith.constant 0 : i32
        %dma_wait3A_30 = arith.constant 0 : i32
        %dma_wait3A_31 = tpu.memref_slice %arg2[%dma_wait3A, %dma_wait3A_30] : memref<10000x128xf32, #tpu.memory_space<hbm>> -> memref<10000x128xf32, #tpu.memory_space<hbm>>
        tpu.wait_indirect_dma semaphore(%arg15 : memref<!tpu.dma_semaphore, #tpu.memory_space<semaphore_mem>>) src(%dma_wait3A_31 : memref<10000x128xf32, #tpu.memory_space<hbm>>) dst(%arg12 : memref<80x128xf32, #tpu.memory_space<vmem>>)
        "tpu.region"() ({
          %run_scoped3A = tpu.sem_alloc : memref<!tpu.dma_semaphore, #tpu.memory_space<semaphore_mem>>
          %dma_start3A_35 = arith.constant 0 : i32
          %dma_start3A_36 = arith.constant 0 : i32
          %dma_start3A_37 = tpu.memref_slice %arg14[%dma_start3A_35, %dma_start3A_36] : memref<10112x128xf32, #tpu.memory_space<vmem_shared>> -> memref<10112x128xf32, #tpu.memory_space<vmem_shared>>
          tpu.enqueue_indirect_dma source(%arg12 : memref<80x128xf32, #tpu.memory_space<vmem>>) target(%dma_start3A_37 : memref<10112x128xf32, #tpu.memory_space<vmem_shared>>) offsets(%arg9 : memref<80xi32, #tpu.memory_space<vmem>>) semaphore(%run_scoped3A : memref<!tpu.dma_semaphore, #tpu.memory_space<semaphore_mem>>) {add = true}
          %dma_wait3A_38 = arith.constant 0 : i32
          %dma_wait3A_39 = arith.constant 0 : i32
          %dma_wait3A_40 = tpu.memref_slice %arg14[%dma_wait3A_38, %dma_wait3A_39] : memref<10112x128xf32, #tpu.memory_space<vmem_shared>> -> memref<10112x128xf32, #tpu.memory_space<vmem_shared>>
          tpu.wait_indirect_dma semaphore(%run_scoped3A : memref<!tpu.dma_semaphore, #tpu.memory_space<semaphore_mem>>) src(%arg12 : memref<80x128xf32, #tpu.memory_space<vmem>>) dst(%dma_wait3A_40 : memref<10112x128xf32, #tpu.memory_space<vmem_shared>>)
          tpu.yield
        }) : () -> ()
        %dma_wait3A_32 = arith.constant 0 : i32
        %dma_wait3A_33 = arith.constant 0 : i32
        %dma_wait3A_34 = tpu.memref_slice %arg2[%dma_wait3A_32, %dma_wait3A_33] : memref<10000x128xf32, #tpu.memory_space<hbm>> -> memref<10000x128xf32, #tpu.memory_space<hbm>>
        tpu.wait_indirect_dma semaphore(%arg16 : memref<!tpu.dma_semaphore, #tpu.memory_space<semaphore_mem>>) src(%dma_wait3A_34 : memref<10000x128xf32, #tpu.memory_space<hbm>>) dst(%arg13 : memref<80x128xf32, #tpu.memory_space<vmem>>)
        "tpu.region"() ({
          %run_scoped3A = tpu.sem_alloc : memref<!tpu.dma_semaphore, #tpu.memory_space<semaphore_mem>>
          %dma_start3A_35 = arith.constant 0 : i32
          %dma_start3A_36 = arith.constant 0 : i32
          %dma_start3A_37 = tpu.memref_slice %arg14[%dma_start3A_35, %dma_start3A_36] : memref<10112x128xf32, #tpu.memory_space<vmem_shared>> -> memref<10112x128xf32, #tpu.memory_space<vmem_shared>>
          tpu.enqueue_indirect_dma source(%arg13 : memref<80x128xf32, #tpu.memory_space<vmem>>) target(%dma_start3A_37 : memref<10112x128xf32, #tpu.memory_space<vmem_shared>>) offsets(%arg11 : memref<80xi32, #tpu.memory_space<vmem>>) semaphore(%run_scoped3A : memref<!tpu.dma_semaphore, #tpu.memory_space<semaphore_mem>>) {add = true}
          %dma_wait3A_38 = arith.constant 0 : i32
          %dma_wait3A_39 = arith.constant 0 : i32
          %dma_wait3A_40 = tpu.memref_slice %arg14[%dma_wait3A_38, %dma_wait3A_39] : memref<10112x128xf32, #tpu.memory_space<vmem_shared>> -> memref<10112x128xf32, #tpu.memory_space<vmem_shared>>
          tpu.wait_indirect_dma semaphore(%run_scoped3A : memref<!tpu.dma_semaphore, #tpu.memory_space<semaphore_mem>>) src(%arg13 : memref<80x128xf32, #tpu.memory_space<vmem>>) dst(%dma_wait3A_40 : memref<10112x128xf32, #tpu.memory_space<vmem_shared>>)
          tpu.yield
        }) : () -> ()
      }
      %scan3A_15 = arith.constant 125 : i32
    } else {
    }
    %eq3A_5 = arith.constant 1 : i32
    %eq3A_6 = arith.cmpi eq, %arg0, %eq3A_5 : i32
    %convert_element_type3A_7 = arith.extui %eq3A_6 : i1 to i32
    %cond3A_8 = arith.constant 0 : i32
    %cond3A_9 = arith.cmpi ne, %convert_element_type3A_7, %cond3A_8 : i32
    scf.if %cond3A_9 {
      %scan3A = arith.constant 0 : i32
      %scan3A_11 = arith.constant 0 : i32
      %scan3A_12 = arith.constant 125 : i32
      %scan3A_13 = arith.addi %scan3A_11, %scan3A_12 : i32
      %scan3A_14 = arith.constant 1 : i32
      scf.for %scan3A_16 = %scan3A_11 to %scan3A_13 step %scan3A_14  : i32 {
        %mul3A_17 = arith.constant 2 : i32
        %mul3A_18 = arith.muli %mul3A_17, %scan3A_16 : i32
        %mul3A_19 = arith.constant 80 : i32
        %mul3A_20 = arith.muli %mul3A_18, %mul3A_19 : i32
        %add3A = arith.addi %mul3A_2, %mul3A_20 : i32
        "tpu.region"() ({
          %run_scoped3A = tpu.sem_alloc : memref<!tpu.dma_semaphore, #tpu.memory_space<semaphore_mem>>
          %dma_start3A_35 = tpu.memref_slice %arg4[%add3A] : memref<320000xi32, #tpu.memory_space<hbm>> -> memref<80xi32, #tpu.memory_space<hbm>>
          %dma_start3A_36 = tpu.memref_slice %arg4[%add3A] : memref<320000xi32, #tpu.memory_space<hbm>> -> memref<80xi32, #tpu.memory_space<hbm>>
          tpu.enqueue_dma source(%dma_start3A_36 : memref<80xi32, #tpu.memory_space<hbm>>) target(%arg8 : memref<80xi32, #tpu.memory_space<vmem>>) target_semaphore(%run_scoped3A : memref<!tpu.dma_semaphore, #tpu.memory_space<semaphore_mem>>)
          %dma_wait3A_37 = tpu.memref_slice %arg4[%add3A] : memref<320000xi32, #tpu.memory_space<hbm>> -> memref<80xi32, #tpu.memory_space<hbm>>
          %dma_wait3A_38 = tpu.memref_slice %arg4[%add3A] : memref<320000xi32, #tpu.memory_space<hbm>> -> memref<80xi32, #tpu.memory_space<hbm>>
          tpu.wait_dma2 semaphore(%run_scoped3A : memref<!tpu.dma_semaphore, #tpu.memory_space<semaphore_mem>>) src(%dma_wait3A_38 : memref<80xi32, #tpu.memory_space<hbm>>) dst(%arg8 : memref<80xi32, #tpu.memory_space<vmem>>)
          tpu.yield
        }) : () -> ()
        "tpu.region"() ({
          %run_scoped3A = tpu.sem_alloc : memref<!tpu.dma_semaphore, #tpu.memory_space<semaphore_mem>>
          %dma_start3A_35 = tpu.memref_slice %arg5[%add3A] : memref<320000xi32, #tpu.memory_space<hbm>> -> memref<80xi32, #tpu.memory_space<hbm>>
          %dma_start3A_36 = tpu.memref_slice %arg5[%add3A] : memref<320000xi32, #tpu.memory_space<hbm>> -> memref<80xi32, #tpu.memory_space<hbm>>
          tpu.enqueue_dma source(%dma_start3A_36 : memref<80xi32, #tpu.memory_space<hbm>>) target(%arg9 : memref<80xi32, #tpu.memory_space<vmem>>) target_semaphore(%run_scoped3A : memref<!tpu.dma_semaphore, #tpu.memory_space<semaphore_mem>>)
          %dma_wait3A_37 = tpu.memref_slice %arg5[%add3A] : memref<320000xi32, #tpu.memory_space<hbm>> -> memref<80xi32, #tpu.memory_space<hbm>>
          %dma_wait3A_38 = tpu.memref_slice %arg5[%add3A] : memref<320000xi32, #tpu.memory_space<hbm>> -> memref<80xi32, #tpu.memory_space<hbm>>
          tpu.wait_dma2 semaphore(%run_scoped3A : memref<!tpu.dma_semaphore, #tpu.memory_space<semaphore_mem>>) src(%dma_wait3A_38 : memref<80xi32, #tpu.memory_space<hbm>>) dst(%arg9 : memref<80xi32, #tpu.memory_space<vmem>>)
          tpu.yield
        }) : () -> ()
        %dma_start3A = arith.constant 0 : i32
        %dma_start3A_21 = arith.constant 0 : i32
        %dma_start3A_22 = tpu.memref_slice %arg3[%dma_start3A, %dma_start3A_21] : memref<10000x128xf32, #tpu.memory_space<hbm>> -> memref<10000x128xf32, #tpu.memory_space<hbm>>
        tpu.enqueue_indirect_dma source(%dma_start3A_22 : memref<10000x128xf32, #tpu.memory_space<hbm>>) target(%arg12 : memref<80x128xf32, #tpu.memory_space<vmem>>) offsets(%arg8 : memref<80xi32, #tpu.memory_space<vmem>>) semaphore(%arg15 : memref<!tpu.dma_semaphore, #tpu.memory_space<semaphore_mem>>)
        %add3A_23 = arith.constant 80 : i32
        %add3A_24 = arith.addi %add3A, %add3A_23 : i32
        "tpu.region"() ({
          %run_scoped3A = tpu.sem_alloc : memref<!tpu.dma_semaphore, #tpu.memory_space<semaphore_mem>>
          %dma_start3A_35 = tpu.memref_slice %arg4[%add3A_24] : memref<320000xi32, #tpu.memory_space<hbm>> -> memref<80xi32, #tpu.memory_space<hbm>>
          %dma_start3A_36 = tpu.memref_slice %arg4[%add3A_24] : memref<320000xi32, #tpu.memory_space<hbm>> -> memref<80xi32, #tpu.memory_space<hbm>>
          tpu.enqueue_dma source(%dma_start3A_36 : memref<80xi32, #tpu.memory_space<hbm>>) target(%arg10 : memref<80xi32, #tpu.memory_space<vmem>>) target_semaphore(%run_scoped3A : memref<!tpu.dma_semaphore, #tpu.memory_space<semaphore_mem>>)
          %dma_wait3A_37 = tpu.memref_slice %arg4[%add3A_24] : memref<320000xi32, #tpu.memory_space<hbm>> -> memref<80xi32, #tpu.memory_space<hbm>>
          %dma_wait3A_38 = tpu.memref_slice %arg4[%add3A_24] : memref<320000xi32, #tpu.memory_space<hbm>> -> memref<80xi32, #tpu.memory_space<hbm>>
          tpu.wait_dma2 semaphore(%run_scoped3A : memref<!tpu.dma_semaphore, #tpu.memory_space<semaphore_mem>>) src(%dma_wait3A_38 : memref<80xi32, #tpu.memory_space<hbm>>) dst(%arg10 : memref<80xi32, #tpu.memory_space<vmem>>)
          tpu.yield
        }) : () -> ()
        %add3A_25 = arith.constant 80 : i32
        %add3A_26 = arith.addi %add3A, %add3A_25 : i32
        "tpu.region"() ({
          %run_scoped3A = tpu.sem_alloc : memref<!tpu.dma_semaphore, #tpu.memory_space<semaphore_mem>>
          %dma_start3A_35 = tpu.memref_slice %arg5[%add3A_26] : memref<320000xi32, #tpu.memory_space<hbm>> -> memref<80xi32, #tpu.memory_space<hbm>>
          %dma_start3A_36 = tpu.memref_slice %arg5[%add3A_26] : memref<320000xi32, #tpu.memory_space<hbm>> -> memref<80xi32, #tpu.memory_space<hbm>>
          tpu.enqueue_dma source(%dma_start3A_36 : memref<80xi32, #tpu.memory_space<hbm>>) target(%arg11 : memref<80xi32, #tpu.memory_space<vmem>>) target_semaphore(%run_scoped3A : memref<!tpu.dma_semaphore, #tpu.memory_space<semaphore_mem>>)
          %dma_wait3A_37 = tpu.memref_slice %arg5[%add3A_26] : memref<320000xi32, #tpu.memory_space<hbm>> -> memref<80xi32, #tpu.memory_space<hbm>>
          %dma_wait3A_38 = tpu.memref_slice %arg5[%add3A_26] : memref<320000xi32, #tpu.memory_space<hbm>> -> memref<80xi32, #tpu.memory_space<hbm>>
          tpu.wait_dma2 semaphore(%run_scoped3A : memref<!tpu.dma_semaphore, #tpu.memory_space<semaphore_mem>>) src(%dma_wait3A_38 : memref<80xi32, #tpu.memory_space<hbm>>) dst(%arg11 : memref<80xi32, #tpu.memory_space<vmem>>)
          tpu.yield
        }) : () -> ()
        %dma_start3A_27 = arith.constant 0 : i32
        %dma_start3A_28 = arith.constant 0 : i32
        %dma_start3A_29 = tpu.memref_slice %arg3[%dma_start3A_27, %dma_start3A_28] : memref<10000x128xf32, #tpu.memory_space<hbm>> -> memref<10000x128xf32, #tpu.memory_space<hbm>>
        tpu.enqueue_indirect_dma source(%dma_start3A_29 : memref<10000x128xf32, #tpu.memory_space<hbm>>) target(%arg13 : memref<80x128xf32, #tpu.memory_space<vmem>>) offsets(%arg10 : memref<80xi32, #tpu.memory_space<vmem>>) semaphore(%arg16 : memref<!tpu.dma_semaphore, #tpu.memory_space<semaphore_mem>>)
        %dma_wait3A = arith.constant 0 : i32
        %dma_wait3A_30 = arith.constant 0 : i32
        %dma_wait3A_31 = tpu.memref_slice %arg3[%dma_wait3A, %dma_wait3A_30] : memref<10000x128xf32, #tpu.memory_space<hbm>> -> memref<10000x128xf32, #tpu.memory_space<hbm>>
        tpu.wait_indirect_dma semaphore(%arg15 : memref<!tpu.dma_semaphore, #tpu.memory_space<semaphore_mem>>) src(%dma_wait3A_31 : memref<10000x128xf32, #tpu.memory_space<hbm>>) dst(%arg12 : memref<80x128xf32, #tpu.memory_space<vmem>>)
        "tpu.region"() ({
          %run_scoped3A = tpu.sem_alloc : memref<!tpu.dma_semaphore, #tpu.memory_space<semaphore_mem>>
          %dma_start3A_35 = arith.constant 0 : i32
          %dma_start3A_36 = arith.constant 0 : i32
          %dma_start3A_37 = tpu.memref_slice %arg14[%dma_start3A_35, %dma_start3A_36] : memref<10112x128xf32, #tpu.memory_space<vmem_shared>> -> memref<10112x128xf32, #tpu.memory_space<vmem_shared>>
          tpu.enqueue_indirect_dma source(%arg12 : memref<80x128xf32, #tpu.memory_space<vmem>>) target(%dma_start3A_37 : memref<10112x128xf32, #tpu.memory_space<vmem_shared>>) offsets(%arg9 : memref<80xi32, #tpu.memory_space<vmem>>) semaphore(%run_scoped3A : memref<!tpu.dma_semaphore, #tpu.memory_space<semaphore_mem>>) {add = true}
          %dma_wait3A_38 = arith.constant 0 : i32
          %dma_wait3A_39 = arith.constant 0 : i32
          %dma_wait3A_40 = tpu.memref_slice %arg14[%dma_wait3A_38, %dma_wait3A_39] : memref<10112x128xf32, #tpu.memory_space<vmem_shared>> -> memref<10112x128xf32, #tpu.memory_space<vmem_shared>>
          tpu.wait_indirect_dma semaphore(%run_scoped3A : memref<!tpu.dma_semaphore, #tpu.memory_space<semaphore_mem>>) src(%arg12 : memref<80x128xf32, #tpu.memory_space<vmem>>) dst(%dma_wait3A_40 : memref<10112x128xf32, #tpu.memory_space<vmem_shared>>)
          tpu.yield
        }) : () -> ()
        %dma_wait3A_32 = arith.constant 0 : i32
        %dma_wait3A_33 = arith.constant 0 : i32
        %dma_wait3A_34 = tpu.memref_slice %arg3[%dma_wait3A_32, %dma_wait3A_33] : memref<10000x128xf32, #tpu.memory_space<hbm>> -> memref<10000x128xf32, #tpu.memory_space<hbm>>
        tpu.wait_indirect_dma semaphore(%arg16 : memref<!tpu.dma_semaphore, #tpu.memory_space<semaphore_mem>>) src(%dma_wait3A_34 : memref<10000x128xf32, #tpu.memory_space<hbm>>) dst(%arg13 : memref<80x128xf32, #tpu.memory_space<vmem>>)
        "tpu.region"() ({
          %run_scoped3A = tpu.sem_alloc : memref<!tpu.dma_semaphore, #tpu.memory_space<semaphore_mem>>
          %dma_start3A_35 = arith.constant 0 : i32
          %dma_start3A_36 = arith.constant 0 : i32
          %dma_start3A_37 = tpu.memref_slice %arg14[%dma_start3A_35, %dma_start3A_36] : memref<10112x128xf32, #tpu.memory_space<vmem_shared>> -> memref<10112x128xf32, #tpu.memory_space<vmem_shared>>
          tpu.enqueue_indirect_dma source(%arg13 : memref<80x128xf32, #tpu.memory_space<vmem>>) target(%dma_start3A_37 : memref<10112x128xf32, #tpu.memory_space<vmem_shared>>) offsets(%arg11 : memref<80xi32, #tpu.memory_space<vmem>>) semaphore(%run_scoped3A : memref<!tpu.dma_semaphore, #tpu.memory_space<semaphore_mem>>) {add = true}
          %dma_wait3A_38 = arith.constant 0 : i32
          %dma_wait3A_39 = arith.constant 0 : i32
          %dma_wait3A_40 = tpu.memref_slice %arg14[%dma_wait3A_38, %dma_wait3A_39] : memref<10112x128xf32, #tpu.memory_space<vmem_shared>> -> memref<10112x128xf32, #tpu.memory_space<vmem_shared>>
          tpu.wait_indirect_dma semaphore(%run_scoped3A : memref<!tpu.dma_semaphore, #tpu.memory_space<semaphore_mem>>) src(%arg13 : memref<80x128xf32, #tpu.memory_space<vmem>>) dst(%dma_wait3A_40 : memref<10112x128xf32, #tpu.memory_space<vmem_shared>>)
          tpu.yield
        }) : () -> ()
      }
      %scan3A_15 = arith.constant 125 : i32
    } else {
    }
    %barrier3A_10 = arith.constant 0 : index
    tpu.barrier barrier_id(%barrier3A_10)
    "tpu.region"() ({
      %run_scoped3A = tpu.sem_alloc : memref<!tpu.dma_semaphore, #tpu.memory_space<semaphore_mem>>
      %dma_start3A = arith.constant 0 : i32
      %dma_start3A_11 = tpu.memref_slice %arg7[%arg0, %mul3A_0, %dma_start3A] : memref<2x10112x128xf32, #tpu.memory_space<hbm>> -> memref<1x632x128xf32, #tpu.memory_space<hbm>>
      %dma_start3A_12 = tpu.memref_squeeze %dma_start3A_11 : memref<1x632x128xf32, #tpu.memory_space<hbm>> -> memref<632x128xf32, #tpu.memory_space<hbm>>
      %dma_start3A_13 = arith.constant 0 : i32
      %dma_start3A_14 = tpu.memref_slice %arg14[%mul3A_0, %dma_start3A_13] : memref<10112x128xf32, #tpu.memory_space<vmem_shared>> -> memref<632x128xf32, #tpu.memory_space<vmem_shared>>
      tpu.enqueue_dma source(%dma_start3A_14 : memref<632x128xf32, #tpu.memory_space<vmem_shared>>) target(%dma_start3A_12 : memref<632x128xf32, #tpu.memory_space<hbm>>) target_semaphore(%run_scoped3A : memref<!tpu.dma_semaphore, #tpu.memory_space<semaphore_mem>>)
      %dma_wait3A = arith.constant 0 : i32
      %dma_wait3A_15 = tpu.memref_slice %arg7[%arg0, %mul3A_0, %dma_wait3A] : memref<2x10112x128xf32, #tpu.memory_space<hbm>> -> memref<1x632x128xf32, #tpu.memory_space<hbm>>
      %dma_wait3A_16 = tpu.memref_squeeze %dma_wait3A_15 : memref<1x632x128xf32, #tpu.memory_space<hbm>> -> memref<632x128xf32, #tpu.memory_space<hbm>>
      %dma_wait3A_17 = arith.constant 0 : i32
      %dma_wait3A_18 = tpu.memref_slice %arg14[%mul3A_0, %dma_wait3A_17] : memref<10112x128xf32, #tpu.memory_space<vmem_shared>> -> memref<632x128xf32, #tpu.memory_space<vmem_shared>>
      tpu.wait_dma2 semaphore(%run_scoped3A : memref<!tpu.dma_semaphore, #tpu.memory_space<semaphore_mem>>) src(%dma_wait3A_18 : memref<632x128xf32, #tpu.memory_space<vmem_shared>>) dst(%dma_wait3A_16 : memref<632x128xf32, #tpu.memory_space<hbm>>)
      tpu.yield
    }) : () -> ()
    return
  }
}

#map = affine_map<(d0, d1) -> (0, 0)>
#map1 = affine_map<(d0, d1) -> (0)>
#map2 = affine_map<(d0, d1) -> (0, 0, 0)>
module attributes {stable_mosaic.version = 14 : i64} {
  func.func @_sc_agg0_body(%arg0: i32, %arg1: i32, %arg2: memref<10000x128xf32, #tpu.memory_space<hbm>>, %arg3: memref<320000xi32, #tpu.memory_space<hbm>>, %arg4: memref<320000xi32, #tpu.memory_space<hbm>>, %arg5: memref<10112x128xf32, #tpu.memory_space<hbm>>, %arg6: memref<80x128xf32, #tpu.memory_space<hbm>>, %arg7: memref<2x10112x128xf32, #tpu.memory_space<hbm>>, %arg8: memref<2x10112x128xf32, #tpu.memory_space<hbm>>, %arg9: memref<80xi32, #tpu.memory_space<vmem>>, %arg10: memref<80xi32, #tpu.memory_space<vmem>>, %arg11: memref<80xi32, #tpu.memory_space<vmem>>, %arg12: memref<80xi32, #tpu.memory_space<vmem>>, %arg13: memref<80x128xf32, #tpu.memory_space<vmem>>, %arg14: memref<80x128xf32, #tpu.memory_space<vmem>>, %arg15: memref<80x128xf32, #tpu.memory_space<vmem>>, %arg16: memref<10112x128xf32, #tpu.memory_space<vmem_shared>>, %arg17: memref<!tpu.dma_semaphore, #tpu.memory_space<semaphore_mem>>, %arg18: memref<!tpu.dma_semaphore, #tpu.memory_space<semaphore_mem>>) attributes {dimension_semantics = [#tpu.dimension_semantics<core_parallel>, #tpu.dimension_semantics<subcore_parallel>], iteration_bounds = array<i64: 2, 16>, scalar_prefetch = 0 : i64, scratch_operands = 10 : i64, tpu.core_type = #tpu.core_type<sc_vector_subcore>, window_params = [{transform_indices = #map}, {transform_indices = #map1}, {transform_indices = #map1}, {transform_indices = #map}, {transform_indices = #map}, {transform_indices = #map2}, {transform_indices = #map2}]} {
    %mul3A = arith.constant 632 : i32
    %mul3A_0 = arith.muli %arg1, %mul3A : i32
    "tpu.region"() ({
      %run_scoped3A = tpu.sem_alloc : memref<!tpu.dma_semaphore, #tpu.memory_space<semaphore_mem>>
      %dma_start3A_28 = arith.constant 0 : i32
      %dma_start3A_29 = tpu.memref_slice %arg16[%mul3A_0, %dma_start3A_28] : memref<10112x128xf32, #tpu.memory_space<vmem_shared>> -> memref<632x128xf32, #tpu.memory_space<vmem_shared>>
      %dma_start3A_30 = arith.constant 0 : i32
      %dma_start3A_31 = tpu.memref_slice %arg5[%mul3A_0, %dma_start3A_30] : memref<10112x128xf32, #tpu.memory_space<hbm>> -> memref<632x128xf32, #tpu.memory_space<hbm>>
      tpu.enqueue_dma source(%dma_start3A_31 : memref<632x128xf32, #tpu.memory_space<hbm>>) target(%dma_start3A_29 : memref<632x128xf32, #tpu.memory_space<vmem_shared>>) target_semaphore(%run_scoped3A : memref<!tpu.dma_semaphore, #tpu.memory_space<semaphore_mem>>)
      %dma_wait3A_32 = arith.constant 0 : i32
      %dma_wait3A_33 = tpu.memref_slice %arg16[%mul3A_0, %dma_wait3A_32] : memref<10112x128xf32, #tpu.memory_space<vmem_shared>> -> memref<632x128xf32, #tpu.memory_space<vmem_shared>>
      %dma_wait3A_34 = arith.constant 0 : i32
      %dma_wait3A_35 = tpu.memref_slice %arg5[%mul3A_0, %dma_wait3A_34] : memref<10112x128xf32, #tpu.memory_space<hbm>> -> memref<632x128xf32, #tpu.memory_space<hbm>>
      tpu.wait_dma2 semaphore(%run_scoped3A : memref<!tpu.dma_semaphore, #tpu.memory_space<semaphore_mem>>) src(%dma_wait3A_35 : memref<632x128xf32, #tpu.memory_space<hbm>>) dst(%dma_wait3A_33 : memref<632x128xf32, #tpu.memory_space<vmem_shared>>)
      tpu.yield
    }) : () -> ()
    "tpu.region"() ({
      %run_scoped3A = tpu.sem_alloc : memref<!tpu.dma_semaphore, #tpu.memory_space<semaphore_mem>>
      tpu.enqueue_dma source(%arg6 : memref<80x128xf32, #tpu.memory_space<hbm>>) target(%arg15 : memref<80x128xf32, #tpu.memory_space<vmem>>) target_semaphore(%run_scoped3A : memref<!tpu.dma_semaphore, #tpu.memory_space<semaphore_mem>>)
      tpu.wait_dma2 semaphore(%run_scoped3A : memref<!tpu.dma_semaphore, #tpu.memory_space<semaphore_mem>>) src(%arg6 : memref<80x128xf32, #tpu.memory_space<hbm>>) dst(%arg15 : memref<80x128xf32, #tpu.memory_space<vmem>>)
      tpu.yield
    }) : () -> ()
    %barrier3A = arith.constant 0 : index
    tpu.barrier barrier_id(%barrier3A)
    %mul3A_1 = arith.constant 160000 : i32
    %mul3A_2 = arith.muli %arg0, %mul3A_1 : i32
    %mul3A_3 = arith.constant 10000 : i32
    %mul3A_4 = arith.muli %arg1, %mul3A_3 : i32
    %add3A = arith.addi %mul3A_2, %mul3A_4 : i32
    %scan3A = arith.constant 0 : i32
    %scan3A_5 = arith.constant 0 : i32
    %scan3A_6 = arith.constant 62 : i32
    %scan3A_7 = arith.addi %scan3A_5, %scan3A_6 : i32
    %scan3A_8 = arith.constant 1 : i32
    scf.for %scan3A_28 = %scan3A_5 to %scan3A_7 step %scan3A_8  : i32 {
      %mul3A_29 = arith.constant 2 : i32
      %mul3A_30 = arith.muli %mul3A_29, %scan3A_28 : i32
      %mul3A_31 = arith.constant 80 : i32
      %mul3A_32 = arith.muli %mul3A_30, %mul3A_31 : i32
      %add3A_33 = arith.addi %add3A, %mul3A_32 : i32
      "tpu.region"() ({
        %run_scoped3A = tpu.sem_alloc : memref<!tpu.dma_semaphore, #tpu.memory_space<semaphore_mem>>
        %dma_start3A_50 = tpu.memref_slice %arg3[%add3A_33] : memref<320000xi32, #tpu.memory_space<hbm>> -> memref<80xi32, #tpu.memory_space<hbm>>
        %dma_start3A_51 = tpu.memref_slice %arg3[%add3A_33] : memref<320000xi32, #tpu.memory_space<hbm>> -> memref<80xi32, #tpu.memory_space<hbm>>
        tpu.enqueue_dma source(%dma_start3A_51 : memref<80xi32, #tpu.memory_space<hbm>>) target(%arg9 : memref<80xi32, #tpu.memory_space<vmem>>) target_semaphore(%run_scoped3A : memref<!tpu.dma_semaphore, #tpu.memory_space<semaphore_mem>>)
        %dma_wait3A_52 = tpu.memref_slice %arg3[%add3A_33] : memref<320000xi32, #tpu.memory_space<hbm>> -> memref<80xi32, #tpu.memory_space<hbm>>
        %dma_wait3A_53 = tpu.memref_slice %arg3[%add3A_33] : memref<320000xi32, #tpu.memory_space<hbm>> -> memref<80xi32, #tpu.memory_space<hbm>>
        tpu.wait_dma2 semaphore(%run_scoped3A : memref<!tpu.dma_semaphore, #tpu.memory_space<semaphore_mem>>) src(%dma_wait3A_53 : memref<80xi32, #tpu.memory_space<hbm>>) dst(%arg9 : memref<80xi32, #tpu.memory_space<vmem>>)
        tpu.yield
      }) : () -> ()
      "tpu.region"() ({
        %run_scoped3A = tpu.sem_alloc : memref<!tpu.dma_semaphore, #tpu.memory_space<semaphore_mem>>
        %dma_start3A_50 = tpu.memref_slice %arg4[%add3A_33] : memref<320000xi32, #tpu.memory_space<hbm>> -> memref<80xi32, #tpu.memory_space<hbm>>
        %dma_start3A_51 = tpu.memref_slice %arg4[%add3A_33] : memref<320000xi32, #tpu.memory_space<hbm>> -> memref<80xi32, #tpu.memory_space<hbm>>
        tpu.enqueue_dma source(%dma_start3A_51 : memref<80xi32, #tpu.memory_space<hbm>>) target(%arg10 : memref<80xi32, #tpu.memory_space<vmem>>) target_semaphore(%run_scoped3A : memref<!tpu.dma_semaphore, #tpu.memory_space<semaphore_mem>>)
        %dma_wait3A_52 = tpu.memref_slice %arg4[%add3A_33] : memref<320000xi32, #tpu.memory_space<hbm>> -> memref<80xi32, #tpu.memory_space<hbm>>
        %dma_wait3A_53 = tpu.memref_slice %arg4[%add3A_33] : memref<320000xi32, #tpu.memory_space<hbm>> -> memref<80xi32, #tpu.memory_space<hbm>>
        tpu.wait_dma2 semaphore(%run_scoped3A : memref<!tpu.dma_semaphore, #tpu.memory_space<semaphore_mem>>) src(%dma_wait3A_53 : memref<80xi32, #tpu.memory_space<hbm>>) dst(%arg10 : memref<80xi32, #tpu.memory_space<vmem>>)
        tpu.yield
      }) : () -> ()
      %dma_start3A_34 = arith.constant 0 : i32
      %dma_start3A_35 = arith.constant 0 : i32
      %dma_start3A_36 = tpu.memref_slice %arg2[%dma_start3A_34, %dma_start3A_35] : memref<10000x128xf32, #tpu.memory_space<hbm>> -> memref<10000x128xf32, #tpu.memory_space<hbm>>
      tpu.enqueue_indirect_dma source(%dma_start3A_36 : memref<10000x128xf32, #tpu.memory_space<hbm>>) target(%arg13 : memref<80x128xf32, #tpu.memory_space<vmem>>) offsets(%arg9 : memref<80xi32, #tpu.memory_space<vmem>>) semaphore(%arg17 : memref<!tpu.dma_semaphore, #tpu.memory_space<semaphore_mem>>)
      %add3A_37 = arith.constant 80 : i32
      %add3A_38 = arith.addi %add3A_33, %add3A_37 : i32
      "tpu.region"() ({
        %run_scoped3A = tpu.sem_alloc : memref<!tpu.dma_semaphore, #tpu.memory_space<semaphore_mem>>
        %dma_start3A_50 = tpu.memref_slice %arg3[%add3A_38] : memref<320000xi32, #tpu.memory_space<hbm>> -> memref<80xi32, #tpu.memory_space<hbm>>
        %dma_start3A_51 = tpu.memref_slice %arg3[%add3A_38] : memref<320000xi32, #tpu.memory_space<hbm>> -> memref<80xi32, #tpu.memory_space<hbm>>
        tpu.enqueue_dma source(%dma_start3A_51 : memref<80xi32, #tpu.memory_space<hbm>>) target(%arg11 : memref<80xi32, #tpu.memory_space<vmem>>) target_semaphore(%run_scoped3A : memref<!tpu.dma_semaphore, #tpu.memory_space<semaphore_mem>>)
        %dma_wait3A_52 = tpu.memref_slice %arg3[%add3A_38] : memref<320000xi32, #tpu.memory_space<hbm>> -> memref<80xi32, #tpu.memory_space<hbm>>
        %dma_wait3A_53 = tpu.memref_slice %arg3[%add3A_38] : memref<320000xi32, #tpu.memory_space<hbm>> -> memref<80xi32, #tpu.memory_space<hbm>>
        tpu.wait_dma2 semaphore(%run_scoped3A : memref<!tpu.dma_semaphore, #tpu.memory_space<semaphore_mem>>) src(%dma_wait3A_53 : memref<80xi32, #tpu.memory_space<hbm>>) dst(%arg11 : memref<80xi32, #tpu.memory_space<vmem>>)
        tpu.yield
      }) : () -> ()
      %add3A_39 = arith.constant 80 : i32
      %add3A_40 = arith.addi %add3A_33, %add3A_39 : i32
      "tpu.region"() ({
        %run_scoped3A = tpu.sem_alloc : memref<!tpu.dma_semaphore, #tpu.memory_space<semaphore_mem>>
        %dma_start3A_50 = tpu.memref_slice %arg4[%add3A_40] : memref<320000xi32, #tpu.memory_space<hbm>> -> memref<80xi32, #tpu.memory_space<hbm>>
        %dma_start3A_51 = tpu.memref_slice %arg4[%add3A_40] : memref<320000xi32, #tpu.memory_space<hbm>> -> memref<80xi32, #tpu.memory_space<hbm>>
        tpu.enqueue_dma source(%dma_start3A_51 : memref<80xi32, #tpu.memory_space<hbm>>) target(%arg12 : memref<80xi32, #tpu.memory_space<vmem>>) target_semaphore(%run_scoped3A : memref<!tpu.dma_semaphore, #tpu.memory_space<semaphore_mem>>)
        %dma_wait3A_52 = tpu.memref_slice %arg4[%add3A_40] : memref<320000xi32, #tpu.memory_space<hbm>> -> memref<80xi32, #tpu.memory_space<hbm>>
        %dma_wait3A_53 = tpu.memref_slice %arg4[%add3A_40] : memref<320000xi32, #tpu.memory_space<hbm>> -> memref<80xi32, #tpu.memory_space<hbm>>
        tpu.wait_dma2 semaphore(%run_scoped3A : memref<!tpu.dma_semaphore, #tpu.memory_space<semaphore_mem>>) src(%dma_wait3A_53 : memref<80xi32, #tpu.memory_space<hbm>>) dst(%arg12 : memref<80xi32, #tpu.memory_space<vmem>>)
        tpu.yield
      }) : () -> ()
      %dma_start3A_41 = arith.constant 0 : i32
      %dma_start3A_42 = arith.constant 0 : i32
      %dma_start3A_43 = tpu.memref_slice %arg2[%dma_start3A_41, %dma_start3A_42] : memref<10000x128xf32, #tpu.memory_space<hbm>> -> memref<10000x128xf32, #tpu.memory_space<hbm>>
      tpu.enqueue_indirect_dma source(%dma_start3A_43 : memref<10000x128xf32, #tpu.memory_space<hbm>>) target(%arg14 : memref<80x128xf32, #tpu.memory_space<vmem>>) offsets(%arg11 : memref<80xi32, #tpu.memory_space<vmem>>) semaphore(%arg18 : memref<!tpu.dma_semaphore, #tpu.memory_space<semaphore_mem>>)
      %dma_wait3A_44 = arith.constant 0 : i32
      %dma_wait3A_45 = arith.constant 0 : i32
      %dma_wait3A_46 = tpu.memref_slice %arg2[%dma_wait3A_44, %dma_wait3A_45] : memref<10000x128xf32, #tpu.memory_space<hbm>> -> memref<10000x128xf32, #tpu.memory_space<hbm>>
      tpu.wait_indirect_dma semaphore(%arg17 : memref<!tpu.dma_semaphore, #tpu.memory_space<semaphore_mem>>) src(%dma_wait3A_46 : memref<10000x128xf32, #tpu.memory_space<hbm>>) dst(%arg13 : memref<80x128xf32, #tpu.memory_space<vmem>>)
      "tpu.region"() ({
        %run_scoped3A = tpu.sem_alloc : memref<!tpu.dma_semaphore, #tpu.memory_space<semaphore_mem>>
        %dma_start3A_50 = arith.constant 0 : i32
        %dma_start3A_51 = arith.constant 0 : i32
        %dma_start3A_52 = tpu.memref_slice %arg16[%dma_start3A_50, %dma_start3A_51] : memref<10112x128xf32, #tpu.memory_space<vmem_shared>> -> memref<10112x128xf32, #tpu.memory_space<vmem_shared>>
        tpu.enqueue_indirect_dma source(%arg13 : memref<80x128xf32, #tpu.memory_space<vmem>>) target(%dma_start3A_52 : memref<10112x128xf32, #tpu.memory_space<vmem_shared>>) offsets(%arg10 : memref<80xi32, #tpu.memory_space<vmem>>) semaphore(%run_scoped3A : memref<!tpu.dma_semaphore, #tpu.memory_space<semaphore_mem>>) {add = true}
        %dma_wait3A_53 = arith.constant 0 : i32
        %dma_wait3A_54 = arith.constant 0 : i32
        %dma_wait3A_55 = tpu.memref_slice %arg16[%dma_wait3A_53, %dma_wait3A_54] : memref<10112x128xf32, #tpu.memory_space<vmem_shared>> -> memref<10112x128xf32, #tpu.memory_space<vmem_shared>>
        tpu.wait_indirect_dma semaphore(%run_scoped3A : memref<!tpu.dma_semaphore, #tpu.memory_space<semaphore_mem>>) src(%arg13 : memref<80x128xf32, #tpu.memory_space<vmem>>) dst(%dma_wait3A_55 : memref<10112x128xf32, #tpu.memory_space<vmem_shared>>)
        tpu.yield
      }) : () -> ()
      %dma_wait3A_47 = arith.constant 0 : i32
      %dma_wait3A_48 = arith.constant 0 : i32
      %dma_wait3A_49 = tpu.memref_slice %arg2[%dma_wait3A_47, %dma_wait3A_48] : memref<10000x128xf32, #tpu.memory_space<hbm>> -> memref<10000x128xf32, #tpu.memory_space<hbm>>
      tpu.wait_indirect_dma semaphore(%arg18 : memref<!tpu.dma_semaphore, #tpu.memory_space<semaphore_mem>>) src(%dma_wait3A_49 : memref<10000x128xf32, #tpu.memory_space<hbm>>) dst(%arg14 : memref<80x128xf32, #tpu.memory_space<vmem>>)
      "tpu.region"() ({
        %run_scoped3A = tpu.sem_alloc : memref<!tpu.dma_semaphore, #tpu.memory_space<semaphore_mem>>
        %dma_start3A_50 = arith.constant 0 : i32
        %dma_start3A_51 = arith.constant 0 : i32
        %dma_start3A_52 = tpu.memref_slice %arg16[%dma_start3A_50, %dma_start3A_51] : memref<10112x128xf32, #tpu.memory_space<vmem_shared>> -> memref<10112x128xf32, #tpu.memory_space<vmem_shared>>
        tpu.enqueue_indirect_dma source(%arg14 : memref<80x128xf32, #tpu.memory_space<vmem>>) target(%dma_start3A_52 : memref<10112x128xf32, #tpu.memory_space<vmem_shared>>) offsets(%arg12 : memref<80xi32, #tpu.memory_space<vmem>>) semaphore(%run_scoped3A : memref<!tpu.dma_semaphore, #tpu.memory_space<semaphore_mem>>) {add = true}
        %dma_wait3A_53 = arith.constant 0 : i32
        %dma_wait3A_54 = arith.constant 0 : i32
        %dma_wait3A_55 = tpu.memref_slice %arg16[%dma_wait3A_53, %dma_wait3A_54] : memref<10112x128xf32, #tpu.memory_space<vmem_shared>> -> memref<10112x128xf32, #tpu.memory_space<vmem_shared>>
        tpu.wait_indirect_dma semaphore(%run_scoped3A : memref<!tpu.dma_semaphore, #tpu.memory_space<semaphore_mem>>) src(%arg14 : memref<80x128xf32, #tpu.memory_space<vmem>>) dst(%dma_wait3A_55 : memref<10112x128xf32, #tpu.memory_space<vmem_shared>>)
        tpu.yield
      }) : () -> ()
    }
    %scan3A_9 = arith.constant 62 : i32
    %add3A_10 = arith.constant 9920 : i32
    %add3A_11 = arith.addi %add3A, %add3A_10 : i32
    "tpu.region"() ({
      %run_scoped3A = tpu.sem_alloc : memref<!tpu.dma_semaphore, #tpu.memory_space<semaphore_mem>>
      %dma_start3A_28 = tpu.memref_slice %arg3[%add3A_11] : memref<320000xi32, #tpu.memory_space<hbm>> -> memref<80xi32, #tpu.memory_space<hbm>>
      %dma_start3A_29 = tpu.memref_slice %arg3[%add3A_11] : memref<320000xi32, #tpu.memory_space<hbm>> -> memref<80xi32, #tpu.memory_space<hbm>>
      tpu.enqueue_dma source(%dma_start3A_29 : memref<80xi32, #tpu.memory_space<hbm>>) target(%arg9 : memref<80xi32, #tpu.memory_space<vmem>>) target_semaphore(%run_scoped3A : memref<!tpu.dma_semaphore, #tpu.memory_space<semaphore_mem>>)
      %dma_wait3A_30 = tpu.memref_slice %arg3[%add3A_11] : memref<320000xi32, #tpu.memory_space<hbm>> -> memref<80xi32, #tpu.memory_space<hbm>>
      %dma_wait3A_31 = tpu.memref_slice %arg3[%add3A_11] : memref<320000xi32, #tpu.memory_space<hbm>> -> memref<80xi32, #tpu.memory_space<hbm>>
      tpu.wait_dma2 semaphore(%run_scoped3A : memref<!tpu.dma_semaphore, #tpu.memory_space<semaphore_mem>>) src(%dma_wait3A_31 : memref<80xi32, #tpu.memory_space<hbm>>) dst(%arg9 : memref<80xi32, #tpu.memory_space<vmem>>)
      tpu.yield
    }) : () -> ()
    "tpu.region"() ({
      %run_scoped3A = tpu.sem_alloc : memref<!tpu.dma_semaphore, #tpu.memory_space<semaphore_mem>>
      %dma_start3A_28 = tpu.memref_slice %arg4[%add3A_11] : memref<320000xi32, #tpu.memory_space<hbm>> -> memref<80xi32, #tpu.memory_space<hbm>>
      %dma_start3A_29 = tpu.memref_slice %arg4[%add3A_11] : memref<320000xi32, #tpu.memory_space<hbm>> -> memref<80xi32, #tpu.memory_space<hbm>>
      tpu.enqueue_dma source(%dma_start3A_29 : memref<80xi32, #tpu.memory_space<hbm>>) target(%arg10 : memref<80xi32, #tpu.memory_space<vmem>>) target_semaphore(%run_scoped3A : memref<!tpu.dma_semaphore, #tpu.memory_space<semaphore_mem>>)
      %dma_wait3A_30 = tpu.memref_slice %arg4[%add3A_11] : memref<320000xi32, #tpu.memory_space<hbm>> -> memref<80xi32, #tpu.memory_space<hbm>>
      %dma_wait3A_31 = tpu.memref_slice %arg4[%add3A_11] : memref<320000xi32, #tpu.memory_space<hbm>> -> memref<80xi32, #tpu.memory_space<hbm>>
      tpu.wait_dma2 semaphore(%run_scoped3A : memref<!tpu.dma_semaphore, #tpu.memory_space<semaphore_mem>>) src(%dma_wait3A_31 : memref<80xi32, #tpu.memory_space<hbm>>) dst(%arg10 : memref<80xi32, #tpu.memory_space<vmem>>)
      tpu.yield
    }) : () -> ()
    %dma_start3A = arith.constant 0 : i32
    %dma_start3A_12 = arith.constant 0 : i32
    %dma_start3A_13 = tpu.memref_slice %arg2[%dma_start3A, %dma_start3A_12] : memref<10000x128xf32, #tpu.memory_space<hbm>> -> memref<10000x128xf32, #tpu.memory_space<hbm>>
    tpu.enqueue_indirect_dma source(%dma_start3A_13 : memref<10000x128xf32, #tpu.memory_space<hbm>>) target(%arg13 : memref<80x128xf32, #tpu.memory_space<vmem>>) offsets(%arg9 : memref<80xi32, #tpu.memory_space<vmem>>) semaphore(%arg17 : memref<!tpu.dma_semaphore, #tpu.memory_space<semaphore_mem>>)
    %dma_wait3A = arith.constant 0 : i32
    %dma_wait3A_14 = arith.constant 0 : i32
    %dma_wait3A_15 = tpu.memref_slice %arg2[%dma_wait3A, %dma_wait3A_14] : memref<10000x128xf32, #tpu.memory_space<hbm>> -> memref<10000x128xf32, #tpu.memory_space<hbm>>
    tpu.wait_indirect_dma semaphore(%arg17 : memref<!tpu.dma_semaphore, #tpu.memory_space<semaphore_mem>>) src(%dma_wait3A_15 : memref<10000x128xf32, #tpu.memory_space<hbm>>) dst(%arg13 : memref<80x128xf32, #tpu.memory_space<vmem>>)
    "tpu.region"() ({
      %run_scoped3A = tpu.sem_alloc : memref<!tpu.dma_semaphore, #tpu.memory_space<semaphore_mem>>
      %dma_start3A_28 = arith.constant 0 : i32
      %dma_start3A_29 = arith.constant 0 : i32
      %dma_start3A_30 = tpu.memref_slice %arg16[%dma_start3A_28, %dma_start3A_29] : memref<10112x128xf32, #tpu.memory_space<vmem_shared>> -> memref<10112x128xf32, #tpu.memory_space<vmem_shared>>
      tpu.enqueue_indirect_dma source(%arg13 : memref<80x128xf32, #tpu.memory_space<vmem>>) target(%dma_start3A_30 : memref<10112x128xf32, #tpu.memory_space<vmem_shared>>) offsets(%arg10 : memref<80xi32, #tpu.memory_space<vmem>>) semaphore(%run_scoped3A : memref<!tpu.dma_semaphore, #tpu.memory_space<semaphore_mem>>) {add = true}
      %dma_wait3A_31 = arith.constant 0 : i32
      %dma_wait3A_32 = arith.constant 0 : i32
      %dma_wait3A_33 = tpu.memref_slice %arg16[%dma_wait3A_31, %dma_wait3A_32] : memref<10112x128xf32, #tpu.memory_space<vmem_shared>> -> memref<10112x128xf32, #tpu.memory_space<vmem_shared>>
      tpu.wait_indirect_dma semaphore(%run_scoped3A : memref<!tpu.dma_semaphore, #tpu.memory_space<semaphore_mem>>) src(%arg13 : memref<80x128xf32, #tpu.memory_space<vmem>>) dst(%dma_wait3A_33 : memref<10112x128xf32, #tpu.memory_space<vmem_shared>>)
      tpu.yield
    }) : () -> ()
    %barrier3A_16 = arith.constant 0 : index
    tpu.barrier barrier_id(%barrier3A_16)
    "tpu.region"() ({
      %run_scoped3A = tpu.sem_alloc : memref<!tpu.dma_semaphore, #tpu.memory_space<semaphore_mem>>
      %dma_start3A_28 = arith.constant 0 : i32
      %dma_start3A_29 = tpu.memref_slice %arg7[%arg0, %mul3A_0, %dma_start3A_28] : memref<2x10112x128xf32, #tpu.memory_space<hbm>> -> memref<1x632x128xf32, #tpu.memory_space<hbm>>
      %dma_start3A_30 = tpu.memref_squeeze %dma_start3A_29 : memref<1x632x128xf32, #tpu.memory_space<hbm>> -> memref<632x128xf32, #tpu.memory_space<hbm>>
      %dma_start3A_31 = arith.constant 0 : i32
      %dma_start3A_32 = tpu.memref_slice %arg16[%mul3A_0, %dma_start3A_31] : memref<10112x128xf32, #tpu.memory_space<vmem_shared>> -> memref<632x128xf32, #tpu.memory_space<vmem_shared>>
      tpu.enqueue_dma source(%dma_start3A_32 : memref<632x128xf32, #tpu.memory_space<vmem_shared>>) target(%dma_start3A_30 : memref<632x128xf32, #tpu.memory_space<hbm>>) target_semaphore(%run_scoped3A : memref<!tpu.dma_semaphore, #tpu.memory_space<semaphore_mem>>)
      %dma_wait3A_33 = arith.constant 0 : i32
      %dma_wait3A_34 = tpu.memref_slice %arg7[%arg0, %mul3A_0, %dma_wait3A_33] : memref<2x10112x128xf32, #tpu.memory_space<hbm>> -> memref<1x632x128xf32, #tpu.memory_space<hbm>>
      %dma_wait3A_35 = tpu.memref_squeeze %dma_wait3A_34 : memref<1x632x128xf32, #tpu.memory_space<hbm>> -> memref<632x128xf32, #tpu.memory_space<hbm>>
      %dma_wait3A_36 = arith.constant 0 : i32
      %dma_wait3A_37 = tpu.memref_slice %arg16[%mul3A_0, %dma_wait3A_36] : memref<10112x128xf32, #tpu.memory_space<vmem_shared>> -> memref<632x128xf32, #tpu.memory_space<vmem_shared>>
      tpu.wait_dma2 semaphore(%run_scoped3A : memref<!tpu.dma_semaphore, #tpu.memory_space<semaphore_mem>>) src(%dma_wait3A_37 : memref<632x128xf32, #tpu.memory_space<vmem_shared>>) dst(%dma_wait3A_35 : memref<632x128xf32, #tpu.memory_space<hbm>>)
      tpu.yield
    }) : () -> ()
    %barrier3A_17 = arith.constant 0 : index
    tpu.barrier barrier_id(%barrier3A_17)
    "tpu.region"() ({
      %run_scoped3A = tpu.sem_alloc : memref<!tpu.dma_semaphore, #tpu.memory_space<semaphore_mem>>
      %dma_start3A_28 = arith.constant 0 : i32
      %dma_start3A_29 = tpu.memref_slice %arg16[%mul3A_0, %dma_start3A_28] : memref<10112x128xf32, #tpu.memory_space<vmem_shared>> -> memref<632x128xf32, #tpu.memory_space<vmem_shared>>
      %dma_start3A_30 = arith.constant 0 : i32
      %dma_start3A_31 = tpu.memref_slice %arg5[%mul3A_0, %dma_start3A_30] : memref<10112x128xf32, #tpu.memory_space<hbm>> -> memref<632x128xf32, #tpu.memory_space<hbm>>
      tpu.enqueue_dma source(%dma_start3A_31 : memref<632x128xf32, #tpu.memory_space<hbm>>) target(%dma_start3A_29 : memref<632x128xf32, #tpu.memory_space<vmem_shared>>) target_semaphore(%run_scoped3A : memref<!tpu.dma_semaphore, #tpu.memory_space<semaphore_mem>>)
      %dma_wait3A_32 = arith.constant 0 : i32
      %dma_wait3A_33 = tpu.memref_slice %arg16[%mul3A_0, %dma_wait3A_32] : memref<10112x128xf32, #tpu.memory_space<vmem_shared>> -> memref<632x128xf32, #tpu.memory_space<vmem_shared>>
      %dma_wait3A_34 = arith.constant 0 : i32
      %dma_wait3A_35 = tpu.memref_slice %arg5[%mul3A_0, %dma_wait3A_34] : memref<10112x128xf32, #tpu.memory_space<hbm>> -> memref<632x128xf32, #tpu.memory_space<hbm>>
      tpu.wait_dma2 semaphore(%run_scoped3A : memref<!tpu.dma_semaphore, #tpu.memory_space<semaphore_mem>>) src(%dma_wait3A_35 : memref<632x128xf32, #tpu.memory_space<hbm>>) dst(%dma_wait3A_33 : memref<632x128xf32, #tpu.memory_space<vmem_shared>>)
      tpu.yield
    }) : () -> ()
    %barrier3A_18 = arith.constant 0 : index
    tpu.barrier barrier_id(%barrier3A_18)
    %scan3A_19 = arith.constant 0 : i32
    %scan3A_20 = arith.constant 0 : i32
    %scan3A_21 = arith.constant 62 : i32
    %scan3A_22 = arith.addi %scan3A_20, %scan3A_21 : i32
    %scan3A_23 = arith.constant 1 : i32
    scf.for %scan3A_28 = %scan3A_20 to %scan3A_22 step %scan3A_23  : i32 {
      %mul3A_29 = arith.constant 2 : i32
      %mul3A_30 = arith.muli %mul3A_29, %scan3A_28 : i32
      %mul3A_31 = arith.constant 80 : i32
      %mul3A_32 = arith.muli %mul3A_30, %mul3A_31 : i32
      %add3A_33 = arith.addi %add3A, %mul3A_32 : i32
      %dma_start3A_34 = tpu.memref_slice %arg4[%add3A_33] : memref<320000xi32, #tpu.memory_space<hbm>> -> memref<80xi32, #tpu.memory_space<hbm>>
      %dma_start3A_35 = tpu.memref_slice %arg4[%add3A_33] : memref<320000xi32, #tpu.memory_space<hbm>> -> memref<80xi32, #tpu.memory_space<hbm>>
      tpu.enqueue_dma source(%dma_start3A_35 : memref<80xi32, #tpu.memory_space<hbm>>) target(%arg10 : memref<80xi32, #tpu.memory_space<vmem>>) target_semaphore(%arg17 : memref<!tpu.dma_semaphore, #tpu.memory_space<semaphore_mem>>)
      %add3A_36 = arith.constant 80 : i32
      %add3A_37 = arith.addi %add3A_33, %add3A_36 : i32
      %dma_start3A_38 = tpu.memref_slice %arg4[%add3A_37] : memref<320000xi32, #tpu.memory_space<hbm>> -> memref<80xi32, #tpu.memory_space<hbm>>
      %dma_start3A_39 = tpu.memref_slice %arg4[%add3A_37] : memref<320000xi32, #tpu.memory_space<hbm>> -> memref<80xi32, #tpu.memory_space<hbm>>
      tpu.enqueue_dma source(%dma_start3A_39 : memref<80xi32, #tpu.memory_space<hbm>>) target(%arg12 : memref<80xi32, #tpu.memory_space<vmem>>) target_semaphore(%arg18 : memref<!tpu.dma_semaphore, #tpu.memory_space<semaphore_mem>>)
      %dma_wait3A_40 = tpu.memref_slice %arg4[%add3A_33] : memref<320000xi32, #tpu.memory_space<hbm>> -> memref<80xi32, #tpu.memory_space<hbm>>
      %dma_wait3A_41 = tpu.memref_slice %arg4[%add3A_33] : memref<320000xi32, #tpu.memory_space<hbm>> -> memref<80xi32, #tpu.memory_space<hbm>>
      tpu.wait_dma2 semaphore(%arg17 : memref<!tpu.dma_semaphore, #tpu.memory_space<semaphore_mem>>) src(%dma_wait3A_41 : memref<80xi32, #tpu.memory_space<hbm>>) dst(%arg10 : memref<80xi32, #tpu.memory_space<vmem>>)
      "tpu.region"() ({
        %run_scoped3A = tpu.sem_alloc : memref<!tpu.dma_semaphore, #tpu.memory_space<semaphore_mem>>
        %dma_start3A_44 = arith.constant 0 : i32
        %dma_start3A_45 = arith.constant 0 : i32
        %dma_start3A_46 = tpu.memref_slice %arg16[%dma_start3A_44, %dma_start3A_45] : memref<10112x128xf32, #tpu.memory_space<vmem_shared>> -> memref<10112x128xf32, #tpu.memory_space<vmem_shared>>
        tpu.enqueue_indirect_dma source(%arg15 : memref<80x128xf32, #tpu.memory_space<vmem>>) target(%dma_start3A_46 : memref<10112x128xf32, #tpu.memory_space<vmem_shared>>) offsets(%arg10 : memref<80xi32, #tpu.memory_space<vmem>>) semaphore(%run_scoped3A : memref<!tpu.dma_semaphore, #tpu.memory_space<semaphore_mem>>) {add = true}
        %dma_wait3A_47 = arith.constant 0 : i32
        %dma_wait3A_48 = arith.constant 0 : i32
        %dma_wait3A_49 = tpu.memref_slice %arg16[%dma_wait3A_47, %dma_wait3A_48] : memref<10112x128xf32, #tpu.memory_space<vmem_shared>> -> memref<10112x128xf32, #tpu.memory_space<vmem_shared>>
        tpu.wait_indirect_dma semaphore(%run_scoped3A : memref<!tpu.dma_semaphore, #tpu.memory_space<semaphore_mem>>) src(%arg15 : memref<80x128xf32, #tpu.memory_space<vmem>>) dst(%dma_wait3A_49 : memref<10112x128xf32, #tpu.memory_space<vmem_shared>>)
        tpu.yield
      }) : () -> ()
      %dma_wait3A_42 = tpu.memref_slice %arg4[%add3A_37] : memref<320000xi32, #tpu.memory_space<hbm>> -> memref<80xi32, #tpu.memory_space<hbm>>
      %dma_wait3A_43 = tpu.memref_slice %arg4[%add3A_37] : memref<320000xi32, #tpu.memory_space<hbm>> -> memref<80xi32, #tpu.memory_space<hbm>>
      tpu.wait_dma2 semaphore(%arg18 : memref<!tpu.dma_semaphore, #tpu.memory_space<semaphore_mem>>) src(%dma_wait3A_43 : memref<80xi32, #tpu.memory_space<hbm>>) dst(%arg12 : memref<80xi32, #tpu.memory_space<vmem>>)
      "tpu.region"() ({
        %run_scoped3A = tpu.sem_alloc : memref<!tpu.dma_semaphore, #tpu.memory_space<semaphore_mem>>
        %dma_start3A_44 = arith.constant 0 : i32
        %dma_start3A_45 = arith.constant 0 : i32
        %dma_start3A_46 = tpu.memref_slice %arg16[%dma_start3A_44, %dma_start3A_45] : memref<10112x128xf32, #tpu.memory_space<vmem_shared>> -> memref<10112x128xf32, #tpu.memory_space<vmem_shared>>
        tpu.enqueue_indirect_dma source(%arg15 : memref<80x128xf32, #tpu.memory_space<vmem>>) target(%dma_start3A_46 : memref<10112x128xf32, #tpu.memory_space<vmem_shared>>) offsets(%arg12 : memref<80xi32, #tpu.memory_space<vmem>>) semaphore(%run_scoped3A : memref<!tpu.dma_semaphore, #tpu.memory_space<semaphore_mem>>) {add = true}
        %dma_wait3A_47 = arith.constant 0 : i32
        %dma_wait3A_48 = arith.constant 0 : i32
        %dma_wait3A_49 = tpu.memref_slice %arg16[%dma_wait3A_47, %dma_wait3A_48] : memref<10112x128xf32, #tpu.memory_space<vmem_shared>> -> memref<10112x128xf32, #tpu.memory_space<vmem_shared>>
        tpu.wait_indirect_dma semaphore(%run_scoped3A : memref<!tpu.dma_semaphore, #tpu.memory_space<semaphore_mem>>) src(%arg15 : memref<80x128xf32, #tpu.memory_space<vmem>>) dst(%dma_wait3A_49 : memref<10112x128xf32, #tpu.memory_space<vmem_shared>>)
        tpu.yield
      }) : () -> ()
    }
    %scan3A_24 = arith.constant 62 : i32
    %add3A_25 = arith.constant 9920 : i32
    %add3A_26 = arith.addi %add3A, %add3A_25 : i32
    "tpu.region"() ({
      %run_scoped3A = tpu.sem_alloc : memref<!tpu.dma_semaphore, #tpu.memory_space<semaphore_mem>>
      %dma_start3A_28 = tpu.memref_slice %arg4[%add3A_26] : memref<320000xi32, #tpu.memory_space<hbm>> -> memref<80xi32, #tpu.memory_space<hbm>>
      %dma_start3A_29 = tpu.memref_slice %arg4[%add3A_26] : memref<320000xi32, #tpu.memory_space<hbm>> -> memref<80xi32, #tpu.memory_space<hbm>>
      tpu.enqueue_dma source(%dma_start3A_29 : memref<80xi32, #tpu.memory_space<hbm>>) target(%arg10 : memref<80xi32, #tpu.memory_space<vmem>>) target_semaphore(%run_scoped3A : memref<!tpu.dma_semaphore, #tpu.memory_space<semaphore_mem>>)
      %dma_wait3A_30 = tpu.memref_slice %arg4[%add3A_26] : memref<320000xi32, #tpu.memory_space<hbm>> -> memref<80xi32, #tpu.memory_space<hbm>>
      %dma_wait3A_31 = tpu.memref_slice %arg4[%add3A_26] : memref<320000xi32, #tpu.memory_space<hbm>> -> memref<80xi32, #tpu.memory_space<hbm>>
      tpu.wait_dma2 semaphore(%run_scoped3A : memref<!tpu.dma_semaphore, #tpu.memory_space<semaphore_mem>>) src(%dma_wait3A_31 : memref<80xi32, #tpu.memory_space<hbm>>) dst(%arg10 : memref<80xi32, #tpu.memory_space<vmem>>)
      tpu.yield
    }) : () -> ()
    "tpu.region"() ({
      %run_scoped3A = tpu.sem_alloc : memref<!tpu.dma_semaphore, #tpu.memory_space<semaphore_mem>>
      %dma_start3A_28 = arith.constant 0 : i32
      %dma_start3A_29 = arith.constant 0 : i32
      %dma_start3A_30 = tpu.memref_slice %arg16[%dma_start3A_28, %dma_start3A_29] : memref<10112x128xf32, #tpu.memory_space<vmem_shared>> -> memref<10112x128xf32, #tpu.memory_space<vmem_shared>>
      tpu.enqueue_indirect_dma source(%arg15 : memref<80x128xf32, #tpu.memory_space<vmem>>) target(%dma_start3A_30 : memref<10112x128xf32, #tpu.memory_space<vmem_shared>>) offsets(%arg10 : memref<80xi32, #tpu.memory_space<vmem>>) semaphore(%run_scoped3A : memref<!tpu.dma_semaphore, #tpu.memory_space<semaphore_mem>>) {add = true}
      %dma_wait3A_31 = arith.constant 0 : i32
      %dma_wait3A_32 = arith.constant 0 : i32
      %dma_wait3A_33 = tpu.memref_slice %arg16[%dma_wait3A_31, %dma_wait3A_32] : memref<10112x128xf32, #tpu.memory_space<vmem_shared>> -> memref<10112x128xf32, #tpu.memory_space<vmem_shared>>
      tpu.wait_indirect_dma semaphore(%run_scoped3A : memref<!tpu.dma_semaphore, #tpu.memory_space<semaphore_mem>>) src(%arg15 : memref<80x128xf32, #tpu.memory_space<vmem>>) dst(%dma_wait3A_33 : memref<10112x128xf32, #tpu.memory_space<vmem_shared>>)
      tpu.yield
    }) : () -> ()
    %barrier3A_27 = arith.constant 0 : index
    tpu.barrier barrier_id(%barrier3A_27)
    "tpu.region"() ({
      %run_scoped3A = tpu.sem_alloc : memref<!tpu.dma_semaphore, #tpu.memory_space<semaphore_mem>>
      %dma_start3A_28 = arith.constant 0 : i32
      %dma_start3A_29 = tpu.memref_slice %arg8[%arg0, %mul3A_0, %dma_start3A_28] : memref<2x10112x128xf32, #tpu.memory_space<hbm>> -> memref<1x632x128xf32, #tpu.memory_space<hbm>>
      %dma_start3A_30 = tpu.memref_squeeze %dma_start3A_29 : memref<1x632x128xf32, #tpu.memory_space<hbm>> -> memref<632x128xf32, #tpu.memory_space<hbm>>
      %dma_start3A_31 = arith.constant 0 : i32
      %dma_start3A_32 = tpu.memref_slice %arg16[%mul3A_0, %dma_start3A_31] : memref<10112x128xf32, #tpu.memory_space<vmem_shared>> -> memref<632x128xf32, #tpu.memory_space<vmem_shared>>
      tpu.enqueue_dma source(%dma_start3A_32 : memref<632x128xf32, #tpu.memory_space<vmem_shared>>) target(%dma_start3A_30 : memref<632x128xf32, #tpu.memory_space<hbm>>) target_semaphore(%run_scoped3A : memref<!tpu.dma_semaphore, #tpu.memory_space<semaphore_mem>>)
      %dma_wait3A_33 = arith.constant 0 : i32
      %dma_wait3A_34 = tpu.memref_slice %arg8[%arg0, %mul3A_0, %dma_wait3A_33] : memref<2x10112x128xf32, #tpu.memory_space<hbm>> -> memref<1x632x128xf32, #tpu.memory_space<hbm>>
      %dma_wait3A_35 = tpu.memref_squeeze %dma_wait3A_34 : memref<1x632x128xf32, #tpu.memory_space<hbm>> -> memref<632x128xf32, #tpu.memory_space<hbm>>
      %dma_wait3A_36 = arith.constant 0 : i32
      %dma_wait3A_37 = tpu.memref_slice %arg16[%mul3A_0, %dma_wait3A_36] : memref<10112x128xf32, #tpu.memory_space<vmem_shared>> -> memref<632x128xf32, #tpu.memory_space<vmem_shared>>
      tpu.wait_dma2 semaphore(%run_scoped3A : memref<!tpu.dma_semaphore, #tpu.memory_space<semaphore_mem>>) src(%dma_wait3A_37 : memref<632x128xf32, #tpu.memory_space<vmem_shared>>) dst(%dma_wait3A_35 : memref<632x128xf32, #tpu.memory_space<hbm>>)
      tpu.yield
    }) : () -> ()
    return
  }
}

module attributes {stable_mosaic.version = 14 : i64} {
  func.func @_stage_a_body(%arg0: i32, %arg1: memref<1000x128xf32, #tpu.memory_space<vmem>>, %arg2: memref<2x1000x128xf32, #tpu.memory_space<vmem>>, %arg3: memref<2x1000x128xf32, #tpu.memory_space<vmem>>, %arg4: memref<128x128xf32, #tpu.memory_space<vmem>>, %arg5: memref<1x128xf32, #tpu.memory_space<vmem>>, %arg6: memref<128x128xf32, #tpu.memory_space<vmem>>, %arg7: memref<128x128xf32, #tpu.memory_space<vmem>>, %arg8: memref<1x128xf32, #tpu.memory_space<vmem>>, %arg9: memref<128x128xf32, #tpu.memory_space<vmem>>, %arg10: memref<1000x128xf32, #tpu.memory_space<vmem>>, %arg11: memref<1000x128xf32, #tpu.memory_space<vmem>>) attributes {dimension_semantics = [#tpu.dimension_semantics<arbitrary>], iteration_bounds = array<i64: 10>, scalar_prefetch = 0 : i64, scratch_operands = 0 : i64, tpu.core_type = #tpu.core_type<tc>, window_params = [{transform_indices = @transform_0, window_bounds = array<i64: 1000, 128>}, {transform_indices = @transform_1, window_bounds = array<i64: 2, 1000, 128>}, {transform_indices = @transform_2, window_bounds = array<i64: 2, 1000, 128>}, {pipeline_mode = #tpu.pipeline_mode<synchronous>, transform_indices = @transform_3, window_bounds = array<i64: 128, 128>}, {pipeline_mode = #tpu.pipeline_mode<synchronous>, transform_indices = @transform_4, window_bounds = array<i64: 1, 128>}, {pipeline_mode = #tpu.pipeline_mode<synchronous>, transform_indices = @transform_5, window_bounds = array<i64: 128, 128>}, {pipeline_mode = #tpu.pipeline_mode<synchronous>, transform_indices = @transform_6, window_bounds = array<i64: 128, 128>}, {pipeline_mode = #tpu.pipeline_mode<synchronous>, transform_indices = @transform_7, window_bounds = array<i64: 1, 128>}, {pipeline_mode = #tpu.pipeline_mode<synchronous>, transform_indices = @transform_8, window_bounds = array<i64: 128, 128>}, {transform_indices = @transform_9, window_bounds = array<i64: 1000, 128>}, {transform_indices = @transform_10, window_bounds = array<i64: 1000, 128>}]} {
    %get3A = arith.constant 0 : index
    %get3A_0 = arith.constant 0 : index
    %get3A_1 = arith.constant 0 : index
    %get3A_2 = vector.load %arg3[%get3A, %get3A_0, %get3A_1] : memref<2x1000x128xf32, #tpu.memory_space<vmem>>, vector<1x1000x1xf32>
    %get3A_3 = vector.shape_cast %get3A_2 : vector<1x1000x1xf32> to vector<1000x1xf32>
    %get3A_4 = arith.constant 1 : index
    %get3A_5 = arith.constant 0 : index
    %get3A_6 = arith.constant 0 : index
    %get3A_7 = vector.load %arg3[%get3A_4, %get3A_5, %get3A_6] : memref<2x1000x128xf32, #tpu.memory_space<vmem>>, vector<1x1000x1xf32>
    %get3A_8 = vector.shape_cast %get3A_7 : vector<1x1000x1xf32> to vector<1000x1xf32>
    %add3A = arith.addf %get3A_3, %get3A_8 : vector<1000x1xf32>
    %get3A_9 = arith.constant 0 : index
    %get3A_10 = arith.constant 0 : index
    %get3A_11 = arith.constant 0 : index
    %get3A_12 = vector.load %arg2[%get3A_9, %get3A_10, %get3A_11] : memref<2x1000x128xf32, #tpu.memory_space<vmem>>, vector<1x1000x128xf32>
    %get3A_13 = vector.shape_cast %get3A_12 : vector<1x1000x128xf32> to vector<1000x128xf32>
    %get3A_14 = arith.constant 1 : index
    %get3A_15 = arith.constant 0 : index
    %get3A_16 = arith.constant 0 : index
    %get3A_17 = vector.load %arg2[%get3A_14, %get3A_15, %get3A_16] : memref<2x1000x128xf32, #tpu.memory_space<vmem>>, vector<1x1000x128xf32>
    %get3A_18 = vector.shape_cast %get3A_17 : vector<1x1000x128xf32> to vector<1000x128xf32>
    %add3A_19 = arith.addf %get3A_13, %get3A_18 : vector<1000x128xf32>
    %max3A = arith.constant 1.000000e+00 : f32
    %max3A_20 = vector.broadcast %max3A : f32 to vector<1000x1xf32>
    %max3A_21 = arith.maximumf %add3A, %max3A_20 : vector<1000x1xf32>
    %div3A = vector.broadcast %max3A_21 : vector<1000x1xf32> to vector<1000x128xf32>
    %div3A_22 = arith.divf %add3A_19, %div3A : vector<1000x128xf32>
    %get3A_23 = arith.constant 0 : index
    %get3A_24 = arith.constant 0 : index
    %get3A_25 = vector.load %arg1[%get3A_23, %get3A_24] : memref<1000x128xf32, #tpu.memory_space<vmem>>, vector<1000x128xf32>
    %get3A_26 = arith.constant 0 : index
    %get3A_27 = arith.constant 0 : index
    %get3A_28 = vector.load %arg4[%get3A_26, %get3A_27] : memref<128x128xf32, #tpu.memory_space<vmem>>, vector<128x128xf32>
    %dot_general3A = arith.constant dense<0.000000e+00> : vector<1000x128xf32>
    %dot_general3A_29 = tpu.matmul %div3A_22, %get3A_28, %dot_general3A {dimension_numbers = #tpu.dot_dimension_numbers<[1], [0], [0], [1], [0, 0, 1, 1], [], []>, transpose_lhs_hint = false} : vector<1000x128xf32>, vector<128x128xf32>, vector<1000x128xf32> -> vector<1000x128xf32>
    %get3A_30 = arith.constant 0 : index
    %get3A_31 = arith.constant 0 : index
    %get3A_32 = vector.load %arg5[%get3A_30, %get3A_31] : memref<1x128xf32, #tpu.memory_space<vmem>>, vector<1x128xf32>
    %add3A_33 = vector.broadcast %get3A_32 : vector<1x128xf32> to vector<1000x128xf32>
    %add3A_34 = arith.addf %dot_general3A_29, %add3A_33 : vector<1000x128xf32>
    %get3A_35 = arith.constant 0 : index
    %get3A_36 = arith.constant 0 : index
    %get3A_37 = vector.load %arg6[%get3A_35, %get3A_36] : memref<128x128xf32, #tpu.memory_space<vmem>>, vector<128x128xf32>
    %dot_general3A_38 = arith.constant dense<0.000000e+00> : vector<1000x128xf32>
    %dot_general3A_39 = tpu.matmul %get3A_25, %get3A_37, %dot_general3A_38 {dimension_numbers = #tpu.dot_dimension_numbers<[1], [0], [0], [1], [0, 0, 1, 1], [], []>, transpose_lhs_hint = false} : vector<1000x128xf32>, vector<128x128xf32>, vector<1000x128xf32> -> vector<1000x128xf32>
    %add3A_40 = arith.addf %add3A_34, %dot_general3A_39 : vector<1000x128xf32>
    %max3A_41 = arith.constant 0.000000e+00 : f32
    %max3A_42 = vector.broadcast %max3A_41 : f32 to vector<1000x128xf32>
    %max3A_43 = arith.maximumf %add3A_40, %max3A_42 : vector<1000x128xf32>
    %swap3A = arith.constant 0 : index
    %swap3A_44 = arith.constant 0 : index
    %swap3A_45 = vector.load %arg10[%swap3A, %swap3A_44] : memref<1000x128xf32, #tpu.memory_space<vmem>>, vector<1000x128xf32>
    tpu.vector_store %arg10[%swap3A, %swap3A_44], %max3A_43 {strides = array<i32>} : memref<1000x128xf32, #tpu.memory_space<vmem>>, vector<1000x128xf32>,
    %get3A_46 = arith.constant 0 : index
    %get3A_47 = arith.constant 0 : index
    %get3A_48 = vector.load %arg7[%get3A_46, %get3A_47] : memref<128x128xf32, #tpu.memory_space<vmem>>, vector<128x128xf32>
    %dot_general3A_49 = arith.constant dense<0.000000e+00> : vector<1000x128xf32>
    %dot_general3A_50 = tpu.matmul %div3A_22, %get3A_48, %dot_general3A_49 {dimension_numbers = #tpu.dot_dimension_numbers<[1], [0], [0], [1], [0, 0, 1, 1], [], []>, transpose_lhs_hint = false} : vector<1000x128xf32>, vector<128x128xf32>, vector<1000x128xf32> -> vector<1000x128xf32>
    %get3A_51 = arith.constant 0 : index
    %get3A_52 = arith.constant 0 : index
    %get3A_53 = vector.load %arg8[%get3A_51, %get3A_52] : memref<1x128xf32, #tpu.memory_space<vmem>>, vector<1x128xf32>
    %add3A_54 = vector.broadcast %get3A_53 : vector<1x128xf32> to vector<1000x128xf32>
    %add3A_55 = arith.addf %dot_general3A_50, %add3A_54 : vector<1000x128xf32>
    %get3A_56 = arith.constant 0 : index
    %get3A_57 = arith.constant 0 : index
    %get3A_58 = vector.load %arg9[%get3A_56, %get3A_57] : memref<128x128xf32, #tpu.memory_space<vmem>>, vector<128x128xf32>
    %dot_general3A_59 = arith.constant dense<0.000000e+00> : vector<1000x128xf32>
    %dot_general3A_60 = tpu.matmul %get3A_25, %get3A_58, %dot_general3A_59 {dimension_numbers = #tpu.dot_dimension_numbers<[1], [0], [0], [1], [0, 0, 1, 1], [], []>, transpose_lhs_hint = false} : vector<1000x128xf32>, vector<128x128xf32>, vector<1000x128xf32> -> vector<1000x128xf32>
    %add3A_61 = arith.addf %add3A_55, %dot_general3A_60 : vector<1000x128xf32>
    %max3A_62 = arith.constant 0.000000e+00 : f32
    %max3A_63 = vector.broadcast %max3A_62 : f32 to vector<1000x128xf32>
    %max3A_64 = arith.maximumf %add3A_61, %max3A_63 : vector<1000x128xf32>
    %swap3A_65 = arith.constant 0 : index
    %swap3A_66 = arith.constant 0 : index
    %swap3A_67 = vector.load %arg11[%swap3A_65, %swap3A_66] : memref<1000x128xf32, #tpu.memory_space<vmem>>, vector<1000x128xf32>
    tpu.vector_store %arg11[%swap3A_65, %swap3A_66], %max3A_64 {strides = array<i32>} : memref<1000x128xf32, #tpu.memory_space<vmem>>, vector<1000x128xf32>,
    return
  }
  func.func @transform_0(%arg0: i32) -> (i32, i32) {
    %c0_i32 = arith.constant 0 : i32
    %c0_i32_0 = arith.constant 0 : i32
    return %arg0, %c0_i32 : i32, i32
  }
  func.func @transform_1(%arg0: i32) -> (i32, i32, i32) {
    %c0_i32 = arith.constant 0 : i32
    %c0_i32_0 = arith.constant 0 : i32
    %c0_i32_1 = arith.constant 0 : i32
    return %c0_i32, %arg0, %c0_i32_0 : i32, i32, i32
  }
  func.func @transform_2(%arg0: i32) -> (i32, i32, i32) {
    %c0_i32 = arith.constant 0 : i32
    %c0_i32_0 = arith.constant 0 : i32
    %c0_i32_1 = arith.constant 0 : i32
    return %c0_i32, %arg0, %c0_i32_0 : i32, i32, i32
  }
  func.func @transform_3(%arg0: i32) -> (i32, i32) {
    %c0_i32 = arith.constant 0 : i32
    %c0_i32_0 = arith.constant 0 : i32
    %c0_i32_1 = arith.constant 0 : i32
    return %c0_i32, %c0_i32_0 : i32, i32
  }
  func.func @transform_4(%arg0: i32) -> (i32, i32) {
    %c0_i32 = arith.constant 0 : i32
    %c0_i32_0 = arith.constant 0 : i32
    %c0_i32_1 = arith.constant 0 : i32
    return %c0_i32, %c0_i32_0 : i32, i32
  }
  func.func @transform_5(%arg0: i32) -> (i32, i32) {
    %c0_i32 = arith.constant 0 : i32
    %c0_i32_0 = arith.constant 0 : i32
    %c0_i32_1 = arith.constant 0 : i32
    return %c0_i32, %c0_i32_0 : i32, i32
  }
  func.func @transform_6(%arg0: i32) -> (i32, i32) {
    %c0_i32 = arith.constant 0 : i32
    %c0_i32_0 = arith.constant 0 : i32
    %c0_i32_1 = arith.constant 0 : i32
    return %c0_i32, %c0_i32_0 : i32, i32
  }
  func.func @transform_7(%arg0: i32) -> (i32, i32) {
    %c0_i32 = arith.constant 0 : i32
    %c0_i32_0 = arith.constant 0 : i32
    %c0_i32_1 = arith.constant 0 : i32
    return %c0_i32, %c0_i32_0 : i32, i32
  }
  func.func @transform_8(%arg0: i32) -> (i32, i32) {
    %c0_i32 = arith.constant 0 : i32
    %c0_i32_0 = arith.constant 0 : i32
    %c0_i32_1 = arith.constant 0 : i32
    return %c0_i32, %c0_i32_0 : i32, i32
  }
  func.func @transform_9(%arg0: i32) -> (i32, i32) {
    %c0_i32 = arith.constant 0 : i32
    %c0_i32_0 = arith.constant 0 : i32
    return %arg0, %c0_i32 : i32, i32
  }
  func.func @transform_10(%arg0: i32) -> (i32, i32) {
    %c0_i32 = arith.constant 0 : i32
    %c0_i32_0 = arith.constant 0 : i32
    return %arg0, %c0_i32 : i32, i32
  }
}

module attributes {stable_mosaic.version = 14 : i64} {
  func.func @_stage_b_body(%arg0: i32, %arg1: memref<1x1x1000xi32, #tpu.memory_space<vmem>>, %arg2: memref<1000x128xf32, #tpu.memory_space<vmem>>, %arg3: memref<1000x128xf32, #tpu.memory_space<vmem>>, %arg4: memref<2x1000x128xf32, #tpu.memory_space<vmem>>, %arg5: memref<2x1000x128xf32, #tpu.memory_space<vmem>>, %arg6: memref<1000x128xf32, #tpu.memory_space<vmem>>, %arg7: memref<128x128xf32, #tpu.memory_space<vmem>>, %arg8: memref<1x128xf32, #tpu.memory_space<vmem>>, %arg9: memref<128x128xf32, #tpu.memory_space<vmem>>, %arg10: memref<128x128xf32, #tpu.memory_space<vmem>>, %arg11: memref<1x128xf32, #tpu.memory_space<vmem>>, %arg12: memref<128x128xf32, #tpu.memory_space<vmem>>, %arg13: memref<128x128xf32, #tpu.memory_space<vmem>>, %arg14: memref<1x128xf32, #tpu.memory_space<vmem>>, %arg15: memref<128x10xf32, #tpu.memory_space<vmem>>, %arg16: memref<1x10xf32, #tpu.memory_space<vmem>>, %arg17: memref<1000x128xf32, #tpu.memory_space<vmem>>, %arg18: memref<1000x128xf32, #tpu.memory_space<vmem>>, %arg19: memref<64x10xf32, #tpu.memory_space<vmem>>, %arg20: memref<64x128xf32, #tpu.memory_space<vmem>>, %arg21: memref<64x128xf32, #tpu.memory_space<vmem>>) attributes {dimension_semantics = [#tpu.dimension_semantics<arbitrary>], iteration_bounds = array<i64: 10>, scalar_prefetch = 0 : i64, scratch_operands = 2 : i64, tpu.core_type = #tpu.core_type<tc>, window_params = [{transform_indices = @transform_0, window_bounds = array<i64: 1, 1, 1000>}, {transform_indices = @transform_1, window_bounds = array<i64: 1000, 128>}, {transform_indices = @transform_2, window_bounds = array<i64: 1000, 128>}, {transform_indices = @transform_3, window_bounds = array<i64: 2, 1000, 128>}, {transform_indices = @transform_4, window_bounds = array<i64: 2, 1000, 128>}, {transform_indices = @transform_5, window_bounds = array<i64: 1000, 128>}, {pipeline_mode = #tpu.pipeline_mode<synchronous>, transform_indices = @transform_6, window_bounds = array<i64: 128, 128>}, {pipeline_mode = #tpu.pipeline_mode<synchronous>, transform_indices = @transform_7, window_bounds = array<i64: 1, 128>}, {pipeline_mode = #tpu.pipeline_mode<synchronous>, transform_indices = @transform_8, window_bounds = array<i64: 128, 128>}, {pipeline_mode = #tpu.pipeline_mode<synchronous>, transform_indices = @transform_9, window_bounds = array<i64: 128, 128>}, {pipeline_mode = #tpu.pipeline_mode<synchronous>, transform_indices = @transform_10, window_bounds = array<i64: 1, 128>}, {pipeline_mode = #tpu.pipeline_mode<synchronous>, transform_indices = @transform_11, window_bounds = array<i64: 128, 128>}, {pipeline_mode = #tpu.pipeline_mode<synchronous>, transform_indices = @transform_12, window_bounds = array<i64: 128, 128>}, {pipeline_mode = #tpu.pipeline_mode<synchronous>, transform_indices = @transform_13, window_bounds = array<i64: 1, 128>}, {pipeline_mode = #tpu.pipeline_mode<synchronous>, transform_indices = @transform_14, window_bounds = array<i64: 128, 10>}, {pipeline_mode = #tpu.pipeline_mode<synchronous>, transform_indices = @transform_15, window_bounds = array<i64: 1, 10>}, {transform_indices = @transform_16, window_bounds = array<i64: 1000, 128>}, {transform_indices = @transform_17, window_bounds = array<i64: 1000, 128>}, {pipeline_mode = #tpu.pipeline_mode<synchronous>, transform_indices = @transform_18, window_bounds = array<i64: 64, 10>}]} {
    %get3A = arith.constant 0 : index
    %get3A_0 = arith.constant 0 : index
    %get3A_1 = arith.constant 0 : index
    %get3A_2 = vector.load %arg5[%get3A, %get3A_0, %get3A_1] : memref<2x1000x128xf32, #tpu.memory_space<vmem>>, vector<1x1000x1xf32>
    %get3A_3 = vector.shape_cast %get3A_2 : vector<1x1000x1xf32> to vector<1000x1xf32>
    %get3A_4 = arith.constant 1 : index
    %get3A_5 = arith.constant 0 : index
    %get3A_6 = arith.constant 0 : index
    %get3A_7 = vector.load %arg5[%get3A_4, %get3A_5, %get3A_6] : memref<2x1000x128xf32, #tpu.memory_space<vmem>>, vector<1x1000x1xf32>
    %get3A_8 = vector.shape_cast %get3A_7 : vector<1x1000x1xf32> to vector<1000x1xf32>
    %add3A = arith.addf %get3A_3, %get3A_8 : vector<1000x1xf32>
    %max3A = arith.constant 1.000000e+00 : f32
    %max3A_9 = vector.broadcast %max3A : f32 to vector<1000x1xf32>
    %max3A_10 = arith.maximumf %add3A, %max3A_9 : vector<1000x1xf32>
    %get3A_11 = arith.constant 0 : index
    %get3A_12 = arith.constant 0 : index
    %get3A_13 = arith.constant 0 : index
    %get3A_14 = vector.load %arg4[%get3A_11, %get3A_12, %get3A_13] : memref<2x1000x128xf32, #tpu.memory_space<vmem>>, vector<1x1000x128xf32>
    %get3A_15 = vector.shape_cast %get3A_14 : vector<1x1000x128xf32> to vector<1000x128xf32>
    %div3A = vector.broadcast %max3A_10 : vector<1000x1xf32> to vector<1000x128xf32>
    %div3A_16 = arith.divf %get3A_15, %div3A : vector<1000x128xf32>
    %get3A_17 = arith.constant 1 : index
    %get3A_18 = arith.constant 0 : index
    %get3A_19 = arith.constant 0 : index
    %get3A_20 = vector.load %arg4[%get3A_17, %get3A_18, %get3A_19] : memref<2x1000x128xf32, #tpu.memory_space<vmem>>, vector<1x1000x128xf32>
    %get3A_21 = vector.shape_cast %get3A_20 : vector<1x1000x128xf32> to vector<1000x128xf32>
    %div3A_22 = vector.broadcast %max3A_10 : vector<1000x1xf32> to vector<1000x128xf32>
    %div3A_23 = arith.divf %get3A_21, %div3A_22 : vector<1000x128xf32>
    %get3A_24 = arith.constant 0 : index
    %get3A_25 = arith.constant 0 : index
    %get3A_26 = vector.load %arg7[%get3A_24, %get3A_25] : memref<128x128xf32, #tpu.memory_space<vmem>>, vector<128x128xf32>
    %dot_general3A = arith.constant dense<0.000000e+00> : vector<1000x128xf32>
    %dot_general3A_27 = tpu.matmul %div3A_16, %get3A_26, %dot_general3A {dimension_numbers = #tpu.dot_dimension_numbers<[1], [0], [0], [1], [0, 0, 1, 1], [], []>, transpose_lhs_hint = false} : vector<1000x128xf32>, vector<128x128xf32>, vector<1000x128xf32> -> vector<1000x128xf32>
    %get3A_28 = arith.constant 0 : index
    %get3A_29 = arith.constant 0 : index
    %get3A_30 = vector.load %arg8[%get3A_28, %get3A_29] : memref<1x128xf32, #tpu.memory_space<vmem>>, vector<1x128xf32>
    %add3A_31 = vector.broadcast %get3A_30 : vector<1x128xf32> to vector<1000x128xf32>
    %add3A_32 = arith.addf %dot_general3A_27, %add3A_31 : vector<1000x128xf32>
    %get3A_33 = arith.constant 0 : index
    %get3A_34 = arith.constant 0 : index
    %get3A_35 = vector.load %arg2[%get3A_33, %get3A_34] : memref<1000x128xf32, #tpu.memory_space<vmem>>, vector<1000x128xf32>
    %get3A_36 = arith.constant 0 : index
    %get3A_37 = arith.constant 0 : index
    %get3A_38 = vector.load %arg9[%get3A_36, %get3A_37] : memref<128x128xf32, #tpu.memory_space<vmem>>, vector<128x128xf32>
    %dot_general3A_39 = arith.constant dense<0.000000e+00> : vector<1000x128xf32>
    %dot_general3A_40 = tpu.matmul %get3A_35, %get3A_38, %dot_general3A_39 {dimension_numbers = #tpu.dot_dimension_numbers<[1], [0], [0], [1], [0, 0, 1, 1], [], []>, transpose_lhs_hint = false} : vector<1000x128xf32>, vector<128x128xf32>, vector<1000x128xf32> -> vector<1000x128xf32>
    %add3A_41 = arith.addf %add3A_32, %dot_general3A_40 : vector<1000x128xf32>
    %max3A_42 = arith.constant 0.000000e+00 : f32
    %max3A_43 = vector.broadcast %max3A_42 : f32 to vector<1000x128xf32>
    %max3A_44 = arith.maximumf %add3A_41, %max3A_43 : vector<1000x128xf32>
    %get3A_45 = arith.constant 0 : index
    %get3A_46 = arith.constant 0 : index
    %get3A_47 = vector.load %arg10[%get3A_45, %get3A_46] : memref<128x128xf32, #tpu.memory_space<vmem>>, vector<128x128xf32>
    %dot_general3A_48 = arith.constant dense<0.000000e+00> : vector<1000x128xf32>
    %dot_general3A_49 = tpu.matmul %div3A_23, %get3A_47, %dot_general3A_48 {dimension_numbers = #tpu.dot_dimension_numbers<[1], [0], [0], [1], [0, 0, 1, 1], [], []>, transpose_lhs_hint = false} : vector<1000x128xf32>, vector<128x128xf32>, vector<1000x128xf32> -> vector<1000x128xf32>
    %get3A_50 = arith.constant 0 : index
    %get3A_51 = arith.constant 0 : index
    %get3A_52 = vector.load %arg11[%get3A_50, %get3A_51] : memref<1x128xf32, #tpu.memory_space<vmem>>, vector<1x128xf32>
    %add3A_53 = vector.broadcast %get3A_52 : vector<1x128xf32> to vector<1000x128xf32>
    %add3A_54 = arith.addf %dot_general3A_49, %add3A_53 : vector<1000x128xf32>
    %get3A_55 = arith.constant 0 : index
    %get3A_56 = arith.constant 0 : index
    %get3A_57 = vector.load %arg3[%get3A_55, %get3A_56] : memref<1000x128xf32, #tpu.memory_space<vmem>>, vector<1000x128xf32>
    %get3A_58 = arith.constant 0 : index
    %get3A_59 = arith.constant 0 : index
    %get3A_60 = vector.load %arg12[%get3A_58, %get3A_59] : memref<128x128xf32, #tpu.memory_space<vmem>>, vector<128x128xf32>
    %dot_general3A_61 = arith.constant dense<0.000000e+00> : vector<1000x128xf32>
    %dot_general3A_62 = tpu.matmul %get3A_57, %get3A_60, %dot_general3A_61 {dimension_numbers = #tpu.dot_dimension_numbers<[1], [0], [0], [1], [0, 0, 1, 1], [], []>, transpose_lhs_hint = false} : vector<1000x128xf32>, vector<128x128xf32>, vector<1000x128xf32> -> vector<1000x128xf32>
    %add3A_63 = arith.addf %add3A_54, %dot_general3A_62 : vector<1000x128xf32>
    %max3A_64 = arith.constant 0.000000e+00 : f32
    %max3A_65 = vector.broadcast %max3A_64 : f32 to vector<1000x128xf32>
    %max3A_66 = arith.maximumf %add3A_63, %max3A_65 : vector<1000x128xf32>
    %swap3A = arith.constant 0 : index
    %swap3A_67 = arith.constant 0 : index
    %swap3A_68 = vector.load %arg17[%swap3A, %swap3A_67] : memref<1000x128xf32, #tpu.memory_space<vmem>>, vector<1000x128xf32>
    tpu.vector_store %arg17[%swap3A, %swap3A_67], %max3A_44 {strides = array<i32>} : memref<1000x128xf32, #tpu.memory_space<vmem>>, vector<1000x128xf32>,
    %swap3A_69 = arith.constant 0 : index
    %swap3A_70 = arith.constant 0 : index
    %swap3A_71 = vector.load %arg18[%swap3A_69, %swap3A_70] : memref<1000x128xf32, #tpu.memory_space<vmem>>, vector<1000x128xf32>
    tpu.vector_store %arg18[%swap3A_69, %swap3A_70], %max3A_66 {strides = array<i32>} : memref<1000x128xf32, #tpu.memory_space<vmem>>, vector<1000x128xf32>,
    %get3A_72 = arith.constant 0 : index
    %get3A_73 = arith.constant 0 : index
    %get3A_74 = vector.load %arg6[%get3A_72, %get3A_73] : memref<1000x128xf32, #tpu.memory_space<vmem>>, vector<1000x128xf32>
    %mul3A = arith.constant 5.000000e-01 : f32
    %mul3A_75 = vector.broadcast %mul3A : f32 to vector<1000x128xf32>
    %mul3A_76 = arith.mulf %mul3A_75, %max3A_66 : vector<1000x128xf32>
    %exp3A = math.exp %mul3A_76 : vector<1000x128xf32>
    %mul3A_77 = arith.mulf %get3A_74, %exp3A : vector<1000x128xf32>
    %add3A_78 = arith.addf %max3A_44, %mul3A_77 : vector<1000x128xf32>
    %get3A_79 = arith.constant 0 : index
    %get3A_80 = arith.constant 0 : index
    %get3A_81 = arith.constant 0 : index
    %get3A_82 = vector.load %arg1[%get3A_79, %get3A_80, %get3A_81] : memref<1x1x1000xi32, #tpu.memory_space<vmem>>, vector<1x1x1000xi32>
    %get3A_83 = vector.shape_cast %get3A_82 : vector<1x1x1000xi32> to vector<1000xi32>
    %broadcast_in_dim3A = vector.shape_cast %get3A_83 : vector<1000xi32> to vector<1000x1xi32>
    %iota3A = tpu.iota {dimensions = array<i32: 1>} : vector<1000x64xi32>
    %eq3A = vector.broadcast %broadcast_in_dim3A : vector<1000x1xi32> to vector<1000x64xi32>
    %eq3A_84 = arith.cmpi eq, %eq3A, %iota3A : vector<1000x64xi32>
    %convert_element_type3A = arith.extui %eq3A_84 : vector<1000x64xi1> to vector<1000x64xi32>
    %convert_element_type3A_85 = arith.sitofp %convert_element_type3A : vector<1000x64xi32> to vector<1000x64xf32>
    %eq3A_86 = arith.constant 0 : i32
    %eq3A_87 = arith.cmpi eq, %arg0, %eq3A_86 : i32
    %convert_element_type3A_88 = arith.extui %eq3A_87 : i1 to i32
    %cond3A = arith.constant 0 : i32
    %cond3A_89 = arith.cmpi ne, %convert_element_type3A_88, %cond3A : i32
    scf.if %cond3A_89 {
      %broadcast_in_dim3A_115 = arith.constant 0.000000e+00 : f32
      %broadcast_in_dim3A_116 = vector.broadcast %broadcast_in_dim3A_115 : f32 to vector<64x128xf32>
      %swap3A_117 = arith.constant 0 : index
      %swap3A_118 = arith.constant 0 : index
      %swap3A_119 = vector.load %arg20[%swap3A_117, %swap3A_118] : memref<64x128xf32, #tpu.memory_space<vmem>>, vector<64x128xf32>
      tpu.vector_store %arg20[%swap3A_117, %swap3A_118], %broadcast_in_dim3A_116 {strides = array<i32>} : memref<64x128xf32, #tpu.memory_space<vmem>>, vector<64x128xf32>,
      %broadcast_in_dim3A_120 = arith.constant 0.000000e+00 : f32
      %broadcast_in_dim3A_121 = vector.broadcast %broadcast_in_dim3A_120 : f32 to vector<64x128xf32>
      %swap3A_122 = arith.constant 0 : index
      %swap3A_123 = arith.constant 0 : index
      %swap3A_124 = vector.load %arg21[%swap3A_122, %swap3A_123] : memref<64x128xf32, #tpu.memory_space<vmem>>, vector<64x128xf32>
      tpu.vector_store %arg21[%swap3A_122, %swap3A_123], %broadcast_in_dim3A_121 {strides = array<i32>} : memref<64x128xf32, #tpu.memory_space<vmem>>, vector<64x128xf32>,
    } else {
    }
    %get3A_90 = arith.constant 0 : index
    %get3A_91 = arith.constant 0 : index
    %get3A_92 = vector.load %arg20[%get3A_90, %get3A_91] : memref<64x128xf32, #tpu.memory_space<vmem>>, vector<64x128xf32>
    %dot_general3A_93 = arith.constant dense<0.000000e+00> : vector<64x128xf32>
    %dot_general3A_94 = tpu.matmul %convert_element_type3A_85, %add3A_78, %dot_general3A_93 {dimension_numbers = #tpu.dot_dimension_numbers<[0], [0], [1], [1], [0, 1, 1, 1], [], []>, transpose_lhs_hint = false} : vector<1000x64xf32>, vector<1000x128xf32>, vector<64x128xf32> -> vector<64x128xf32>
    %add3A_95 = arith.addf %get3A_92, %dot_general3A_94 : vector<64x128xf32>
    %swap3A_96 = arith.constant 0 : index
    %swap3A_97 = arith.constant 0 : index
    %swap3A_98 = vector.load %arg20[%swap3A_96, %swap3A_97] : memref<64x128xf32, #tpu.memory_space<vmem>>, vector<64x128xf32>
    tpu.vector_store %arg20[%swap3A_96, %swap3A_97], %add3A_95 {strides = array<i32>} : memref<64x128xf32, #tpu.memory_space<vmem>>, vector<64x128xf32>,
    %get3A_99 = arith.constant 0 : index
    %get3A_100 = arith.constant 0 : index
    %get3A_101 = vector.load %arg21[%get3A_99, %get3A_100] : memref<64x128xf32, #tpu.memory_space<vmem>>, vector<64x128xf32>
    %reduce_sum3A = arith.constant dense<0.000000e+00> : vector<64xf32>
    %reduce_sum3A_102 = vector.multi_reduction <add>, %convert_element_type3A_85, %reduce_sum3A [0] : vector<1000x64xf32> to vector<64xf32>
    %broadcast_in_dim3A_103 = vector.shape_cast %reduce_sum3A_102 : vector<64xf32> to vector<64x1xf32>
    %broadcast_in_dim3A_104 = vector.shape_cast %broadcast_in_dim3A_103 : vector<64x1xf32> to vector<64x1xf32>
    %broadcast_in_dim3A_105 = vector.broadcast %broadcast_in_dim3A_104 : vector<64x1xf32> to vector<64x128xf32>
    %add3A_106 = arith.addf %get3A_101, %broadcast_in_dim3A_105 : vector<64x128xf32>
    %swap3A_107 = arith.constant 0 : index
    %swap3A_108 = arith.constant 0 : index
    %swap3A_109 = vector.load %arg21[%swap3A_107, %swap3A_108] : memref<64x128xf32, #tpu.memory_space<vmem>>, vector<64x128xf32>
    tpu.vector_store %arg21[%swap3A_107, %swap3A_108], %add3A_106 {strides = array<i32>} : memref<64x128xf32, #tpu.memory_space<vmem>>, vector<64x128xf32>,
    %eq3A_110 = arith.constant 9 : i32
    %eq3A_111 = arith.cmpi eq, %arg0, %eq3A_110 : i32
    %convert_element_type3A_112 = arith.extui %eq3A_111 : i1 to i32
    %cond3A_113 = arith.constant 0 : i32
    %cond3A_114 = arith.cmpi ne, %convert_element_type3A_112, %cond3A_113 : i32
    scf.if %cond3A_114 {
      %get3A_115 = arith.constant 0 : index
      %get3A_116 = arith.constant 0 : index
      %get3A_117 = vector.load %arg20[%get3A_115, %get3A_116] : memref<64x128xf32, #tpu.memory_space<vmem>>, vector<64x128xf32>
      %get3A_118 = arith.constant 0 : index
      %get3A_119 = arith.constant 0 : index
      %get3A_120 = vector.load %arg21[%get3A_118, %get3A_119] : memref<64x128xf32, #tpu.memory_space<vmem>>, vector<64x128xf32>
      %max3A_121 = arith.constant 1.000000e+00 : f32
      %max3A_122 = vector.broadcast %max3A_121 : f32 to vector<64x128xf32>
      %max3A_123 = arith.maximumf %get3A_120, %max3A_122 : vector<64x128xf32>
      %div3A_124 = arith.divf %get3A_117, %max3A_123 : vector<64x128xf32>
      %get3A_125 = arith.constant 0 : index
      %get3A_126 = arith.constant 0 : index
      %get3A_127 = vector.load %arg13[%get3A_125, %get3A_126] : memref<128x128xf32, #tpu.memory_space<vmem>>, vector<128x128xf32>
      %dot_general3A_128 = arith.constant dense<0.000000e+00> : vector<64x128xf32>
      %dot_general3A_129 = tpu.matmul %div3A_124, %get3A_127, %dot_general3A_128 {dimension_numbers = #tpu.dot_dimension_numbers<[1], [0], [0], [1], [0, 0, 1, 1], [], []>, transpose_lhs_hint = false} : vector<64x128xf32>, vector<128x128xf32>, vector<64x128xf32> -> vector<64x128xf32>
      %get3A_130 = arith.constant 0 : index
      %get3A_131 = arith.constant 0 : index
      %get3A_132 = vector.load %arg14[%get3A_130, %get3A_131] : memref<1x128xf32, #tpu.memory_space<vmem>>, vector<1x128xf32>
      %add3A_133 = vector.broadcast %get3A_132 : vector<1x128xf32> to vector<64x128xf32>
      %add3A_134 = arith.addf %dot_general3A_129, %add3A_133 : vector<64x128xf32>
      %max3A_135 = arith.constant 0.000000e+00 : f32
      %max3A_136 = vector.broadcast %max3A_135 : f32 to vector<64x128xf32>
      %max3A_137 = arith.maximumf %add3A_134, %max3A_136 : vector<64x128xf32>
      %get3A_138 = arith.constant 0 : index
      %get3A_139 = arith.constant 0 : index
      %get3A_140 = vector.load %arg15[%get3A_138, %get3A_139] : memref<128x10xf32, #tpu.memory_space<vmem>>, vector<128x10xf32>
      %dot_general3A_141 = arith.constant dense<0.000000e+00> : vector<64x10xf32>
      %dot_general3A_142 = tpu.matmul %max3A_137, %get3A_140, %dot_general3A_141 {dimension_numbers = #tpu.dot_dimension_numbers<[1], [0], [0], [1], [0, 0, 1, 1], [], []>, transpose_lhs_hint = false} : vector<64x128xf32>, vector<128x10xf32>, vector<64x10xf32> -> vector<64x10xf32>
      %get3A_143 = arith.constant 0 : index
      %get3A_144 = arith.constant 0 : index
      %get3A_145 = vector.load %arg16[%get3A_143, %get3A_144] : memref<1x10xf32, #tpu.memory_space<vmem>>, vector<1x10xf32>
      %add3A_146 = vector.broadcast %get3A_145 : vector<1x10xf32> to vector<64x10xf32>
      %add3A_147 = arith.addf %dot_general3A_142, %add3A_146 : vector<64x10xf32>
      %reduce_max3A = arith.constant dense<0xFF800000> : vector<64xf32>
      %reduce_max3A_148 = vector.multi_reduction <maximumf>, %add3A_147, %reduce_max3A [1] : vector<64x10xf32> to vector<64xf32>
      %max3A_149 = arith.constant 0xFF800000 : f32
      %max3A_150 = vector.broadcast %max3A_149 : f32 to vector<64xf32>
      %max3A_151 = arith.maximumf %max3A_150, %reduce_max3A_148 : vector<64xf32>
      %broadcast_in_dim3A_152 = vector.shape_cast %max3A_151 : vector<64xf32> to vector<64x1xf32>
      %sub3A = vector.broadcast %broadcast_in_dim3A_152 : vector<64x1xf32> to vector<64x10xf32>
      %sub3A_153 = arith.subf %add3A_147, %sub3A : vector<64x10xf32>
      %exp3A_154 = math.exp %sub3A_153 : vector<64x10xf32>
      %reduce_sum3A_155 = arith.constant dense<0.000000e+00> : vector<64xf32>
      %reduce_sum3A_156 = vector.multi_reduction <add>, %exp3A_154, %reduce_sum3A_155 [1] : vector<64x10xf32> to vector<64xf32>
      %broadcast_in_dim3A_157 = vector.shape_cast %reduce_sum3A_156 : vector<64xf32> to vector<64x1xf32>
      %log3A = math.log %broadcast_in_dim3A_157 : vector<64x1xf32>
      %sub3A_158 = vector.broadcast %log3A : vector<64x1xf32> to vector<64x10xf32>
      %sub3A_159 = arith.subf %sub3A_153, %sub3A_158 : vector<64x10xf32>
      %swap3A_160 = arith.constant 0 : index
      %swap3A_161 = arith.constant 0 : index
      %swap3A_162 = vector.load %arg19[%swap3A_160, %swap3A_161] : memref<64x10xf32, #tpu.memory_space<vmem>>, vector<64x10xf32>
      tpu.vector_store %arg19[%swap3A_160, %swap3A_161], %sub3A_159 {strides = array<i32>} : memref<64x10xf32, #tpu.memory_space<vmem>>, vector<64x10xf32>,
    } else {
    }
    return
  }
  func.func @transform_0(%arg0: i32) -> (i32, i32, i32) {
    %c0_i32 = arith.constant 0 : i32
    %c0_i32_0 = arith.constant 0 : i32
    %c0_i32_1 = arith.constant 0 : i32
    return %arg0, %c0_i32, %c0_i32_0 : i32, i32, i32
  }
  func.func @transform_1(%arg0: i32) -> (i32, i32) {
    %c0_i32 = arith.constant 0 : i32
    %c0_i32_0 = arith.constant 0 : i32
    return %arg0, %c0_i32 : i32, i32
  }
  func.func @transform_2(%arg0: i32) -> (i32, i32) {
    %c0_i32 = arith.constant 0 : i32
    %c0_i32_0 = arith.constant 0 : i32
    return %arg0, %c0_i32 : i32, i32
  }
  func.func @transform_3(%arg0: i32) -> (i32, i32, i32) {
    %c0_i32 = arith.constant 0 : i32
    %c0_i32_0 = arith.constant 0 : i32
    %c0_i32_1 = arith.constant 0 : i32
    return %c0_i32, %arg0, %c0_i32_0 : i32, i32, i32
  }
  func.func @transform_4(%arg0: i32) -> (i32, i32, i32) {
    %c0_i32 = arith.constant 0 : i32
    %c0_i32_0 = arith.constant 0 : i32
    %c0_i32_1 = arith.constant 0 : i32
    return %c0_i32, %arg0, %c0_i32_0 : i32, i32, i32
  }
  func.func @transform_5(%arg0: i32) -> (i32, i32) {
    %c0_i32 = arith.constant 0 : i32
    %c0_i32_0 = arith.constant 0 : i32
    return %arg0, %c0_i32 : i32, i32
  }
  func.func @transform_6(%arg0: i32) -> (i32, i32) {
    %c0_i32 = arith.constant 0 : i32
    %c0_i32_0 = arith.constant 0 : i32
    %c0_i32_1 = arith.constant 0 : i32
    return %c0_i32, %c0_i32_0 : i32, i32
  }
  func.func @transform_7(%arg0: i32) -> (i32, i32) {
    %c0_i32 = arith.constant 0 : i32
    %c0_i32_0 = arith.constant 0 : i32
    %c0_i32_1 = arith.constant 0 : i32
    return %c0_i32, %c0_i32_0 : i32, i32
  }
  func.func @transform_8(%arg0: i32) -> (i32, i32) {
    %c0_i32 = arith.constant 0 : i32
    %c0_i32_0 = arith.constant 0 : i32
    %c0_i32_1 = arith.constant 0 : i32
    return %c0_i32, %c0_i32_0 : i32, i32
  }
  func.func @transform_9(%arg0: i32) -> (i32, i32) {
    %c0_i32 = arith.constant 0 : i32
    %c0_i32_0 = arith.constant 0 : i32
    %c0_i32_1 = arith.constant 0 : i32
    return %c0_i32, %c0_i32_0 : i32, i32
  }
  func.func @transform_10(%arg0: i32) -> (i32, i32) {
    %c0_i32 = arith.constant 0 : i32
    %c0_i32_0 = arith.constant 0 : i32
    %c0_i32_1 = arith.constant 0 : i32
    return %c0_i32, %c0_i32_0 : i32, i32
  }
  func.func @transform_11(%arg0: i32) -> (i32, i32) {
    %c0_i32 = arith.constant 0 : i32
    %c0_i32_0 = arith.constant 0 : i32
    %c0_i32_1 = arith.constant 0 : i32
    return %c0_i32, %c0_i32_0 : i32, i32
  }
  func.func @transform_12(%arg0: i32) -> (i32, i32) {
    %c0_i32 = arith.constant 0 : i32
    %c0_i32_0 = arith.constant 0 : i32
    %c0_i32_1 = arith.constant 0 : i32
    return %c0_i32, %c0_i32_0 : i32, i32
  }
  func.func @transform_13(%arg0: i32) -> (i32, i32) {
    %c0_i32 = arith.constant 0 : i32
    %c0_i32_0 = arith.constant 0 : i32
    %c0_i32_1 = arith.constant 0 : i32
    return %c0_i32, %c0_i32_0 : i32, i32
  }
  func.func @transform_14(%arg0: i32) -> (i32, i32) {
    %c0_i32 = arith.constant 0 : i32
    %c0_i32_0 = arith.constant 0 : i32
    %c0_i32_1 = arith.constant 0 : i32
    return %c0_i32, %c0_i32_0 : i32, i32
  }
  func.func @transform_15(%arg0: i32) -> (i32, i32) {
    %c0_i32 = arith.constant 0 : i32
    %c0_i32_0 = arith.constant 0 : i32
    %c0_i32_1 = arith.constant 0 : i32
    return %c0_i32, %c0_i32_0 : i32, i32
  }
  func.func @transform_16(%arg0: i32) -> (i32, i32) {
    %c0_i32 = arith.constant 0 : i32
    %c0_i32_0 = arith.constant 0 : i32
    return %arg0, %c0_i32 : i32, i32
  }
  func.func @transform_17(%arg0: i32) -> (i32, i32) {
    %c0_i32 = arith.constant 0 : i32
    %c0_i32_0 = arith.constant 0 : i32
    return %arg0, %c0_i32 : i32, i32
  }
  func.func @transform_18(%arg0: i32) -> (i32, i32) {
    %c0_i32 = arith.constant 0 : i32
    %c0_i32_0 = arith.constant 0 : i32
    %c0_i32_1 = arith.constant 0 : i32
    return %c0_i32, %c0_i32_0 : i32, i32
  }
}

</mosaic_0001>

<sc_bundles>
// kernel: kernel.6.cloned.1.call-start
scs
__scs_entry_jumppad:
0x0: {  	(pc) =	sbr.rel $0x88, $3  }
0x1: {  	(tag) =	ssettag $0x0;
	lr =	simm.s32 $0x1  }
0x2: {  	[smem:$0x3F8E] =	sst lr;
	_ =	strace $0xD0000000  }
0x3: {  	_ = 	snop  }
0x4: {  	_ = 	snop  }
0x5: {  	_ = 	snop  }
0x6: {  	_ = 	snop  }
0x7: {  	_ = 	snop  }
__scs_overlays_trampoline_lowered:
0x8: {  	[smem:$0x3F9D] =	sst s0  }
0x9: {  	[smem:$0x3F9E] =	sst s1  }
0xa: {  	[smem:$0x3F9F] =	sst s2  }
0xb: {  	[smem:$0x3FA0] =	sst s3  }
0xc: {  	[smem:$0x3FA1] =	sst s4  }
0xd: {  	[smem:$0x3FA2] =	sst s5  }
0xe: {  	[smem:$0x3FA3] =	sst s6  }
0xf: {  	[smem:$0x3FA4] =	sst s7  }
0x10: {  	[smem:$0x3FA5] =	sst s8  }
0x11: {  	[smem:$0x3FA6] =	sst s9;
	s0 =	simm.s32 @!p0 $0x0  }
0x12: {  	s1 =	sld [smem:$0x3F8C];
	s0 =	simm.s32 @p0 $0x1  }
0x13: {  	[smem:$0x3FA7] =	sst s0;
	s0 =	simm.s32 @!p1 $0x0  }
0x14: {  	s2 =	sld [smem:$0x3F8B];
	s0 =	simm.s32 @p1 $0x1  }
0x15: {  	[smem:$0x3FA8] =	sst s0;
	s0 =	simm.s32 @!p2 $0x0  }
0x16: {  	s3 =	sld [smem:$0x3FDB];
	s0 =	simm.s32 @p2 $0x1  }
0x17: {  	s4 =	simm.s32 $0x1BF5;
	[smem:$0x3FAA] =	sst s0  }
0x18: {  	s0 =	sld [smem:$0x3F8D];
	_ =	swait.ge [sflag:s4], $0x0  }
0x19: {  	s7 =	sld [smem:$0x3F8E]  }
0x1a: {  	s8 =	sadd.s32 $0xFFFFE003, lr  }
0x1b: {  	s9 =	sadd.s32 $0xFFFFFEF7, lr;
	s5 =	simm.s32 $0xFFFFFFFF;
	p2 =	slt.u32 s8, $0xFFFFF086  }
0x1c: {  	p1 =	slt.u32 s9, $0xF7A;
	s5 =	simm.s32 @!p2 $0x0  }
0x1d: {  	s5 =	simm.s32 @p1 $0x1;
	p0 =	seq.s32 s7, s2  }
0x1e: {  	s7 =	smul.u32 @!p0 $0xF7A, s2;
	p2 =	seq.s32 @!p0 s5, $0x0  }
0x1f: {  	s9 =	smul.u32 $0xF7A, s1;
	s8 =	simm.s32 @!p0 $0x1BF5;
	p2 =	por !p2, p0  }
0x20: {  	[sflag:s8] =	ssyncset.s32 @!p0 $0xFFFFF086;
	s6 =	sadd.s32 @!p0 s3, s7;
	s7 =	simm.s32 @!p0 $0x108  }
0x21: {  	s3 =	sadd.s32 s3, s9;
	s6 =	sadd.s32 @!p0 $0x88, s6;
	s7 =	simm.s32 @p2 $0x1082  }
0x22: {  	[simem:s7], [sflag:s8] =	dma.local @!p0 [hbm:s6], $0xF7A  }
0x23: {  	s9 =	sor.u32 $0xD0000000, s2;
	s6 =	simm.s32 $0x108;
	_ =	swait.ge @!p0 [sflag:s8], $0x0  }
0x24: {  	s3 =	sadd.s32 $0x88, s3;
	s6 =	simm.s32 @!p1 $0x1082;
	[sflag:s4] =	ssyncset.s32 $0xFFFFF086  }
0x25: {  	[simem:s6], [sflag:s4] =	dma.local [hbm:s3], $0xF7A  }
0x26: {  	[smem:$0x3F8E] =	sst s1;
	(tag) =	ssettag s2;
	_ =	strace s9  }
0x27: {  	s1 =	sld [smem:$0x3F9E]  }
0x28: {  	s2 =	sld [smem:$0x3F9F]  }
0x29: {  	s4 =	sld [smem:$0x3FA1]  }
0x2a: {  	p0 =	seq.s32 s5, $0x0;
	s5 =	sld [smem:$0x3FA2]  }
0x2b: {  	s6 =	sld [smem:$0x3FA3]  }
0x2c: {  	s7 =	sld [smem:$0x3FA4]  }
0x2d: {  	s3 =	simm.s32 $0x108;
	s8 =	sld [smem:$0x3FA5]  }
0x2e: {  	s3 =	simm.s32 @!p0 $0x1082;
	s9 =	sld [smem:$0x3FA6]  }
0x2f: {  	lr =	sadd.s32 s0, s3;
	s0 =	sld [smem:$0x3F9D]  }
0x30: {  	s3 =	sld [smem:$0x3FA0]  }
0x31: {  	[smem:$0x3FA9] =	sst s10  }
0x32: {  	s10 =	sld [smem:$0x3FA7];
	_ =	sdelay $0x3  }
0x33: {  	p0 =	seq.s32 s10, $0x1;
	s10 =	sld [smem:$0x3FA9];
	_ =	sdelay $0x3  }
0x34: {  	[smem:$0x3FA9] =	sst s10  }
0x35: {  	s10 =	sld [smem:$0x3FA8];
	_ =	sdelay $0x3  }
0x36: {  	p1 =	seq.s32 s10, $0x1;
	s10 =	sld [smem:$0x3FA9];
	_ =	sdelay $0x3  }
0x37: {  	[smem:$0x3FA9] =	sst s10  }
0x38: {  	s10 =	sld [smem:$0x3FAA]  }
0x39: {  	_ = 	snop;
	(pc) =	sbr.ind lr, $3  }
0x3a: {  	_ = 	snop  }
0x3b: {  	_ = 	snop  }
0x3c: {  	p2 =	seq.s32 s10, $0x1;
	s10 =	sld [smem:$0x3FA9]  }
0x3d: {  	_ =	shalt  }
0x3e: {  	_ =	shalt  }
0x3f: {  	_ =	shalt  }
0x40: {  	_ =	shalt  }
0x41: {  	_ =	shalt  }
0x42: {  	_ =	shalt  }
0x43: {  	_ =	shalt  }
0x44: {  	_ =	shalt  }
0x45: {  	_ =	shalt  }
0x46: {  	_ =	shalt  }
0x47: {  	_ =	shalt  }
0x48: {  	_ =	shalt  }
0x49: {  	_ =	shalt  }
0x4a: {  	_ =	shalt  }
0x4b: {  	_ =	shalt  }
0x4c: {  	_ =	shalt  }
0x4d: {  	_ =	shalt  }
0x4e: {  	_ =	shalt  }
0x4f: {  	_ =	shalt  }
0x50: {  	_ =	shalt  }
0x51: {  	_ =	shalt  }
0x52: {  	_ =	shalt  }
0x53: {  	_ =	shalt  }
0x54: {  	_ =	shalt  }
0x55: {  	_ =	shalt  }
0x56: {  	_ =	shalt  }
0x57: {  	_ =	shalt  }
0x58: {  	_ =	shalt  }
0x59: {  	_ =	shalt  }
0x5a: {  	_ =	shalt  }
0x5b: {  	_ =	shalt  }
0x5c: {  	_ =	shalt  }
0x5d: {  	_ =	shalt  }
0x5e: {  	_ =	shalt  }
0x5f: {  	_ =	shalt  }
0x60: {  	_ =	shalt  }
0x61: {  	_ =	shalt  }
0x62: {  	_ =	shalt  }
0x63: {  	_ =	shalt  }
0x64: {  	_ =	shalt  }
0x65: {  	_ =	shalt  }
0x66: {  	_ =	shalt  }
0x67: {  	_ =	shalt  }
0x68: {  	_ =	shalt  }
0x69: {  	_ =	shalt  }
0x6a: {  	_ =	shalt  }
0x6b: {  	_ =	shalt  }
0x6c: {  	_ =	shalt  }
0x6d: {  	_ =	shalt  }
0x6e: {  	_ =	shalt  }
0x6f: {  	_ =	shalt  }
0x70: {  	_ =	shalt  }
0x71: {  	_ =	shalt  }
0x72: {  	_ =	shalt  }
0x73: {  	_ =	shalt  }
0x74: {  	_ =	shalt  }
0x75: {  	_ =	shalt  }
0x76: {  	_ =	shalt  }
0x77: {  	_ =	shalt  }
0x78: {  	_ =	shalt  }
0x79: {  	_ =	shalt  }
0x7a: {  	_ =	shalt  }
0x7b: {  	_ =	shalt  }
0x7c: {  	_ =	shalt  }
0x7d: {  	_ =	shalt  }
0x7e: {  	_ =	shalt  }
0x7f: {  	_ =	shalt  }
0x80: {  	_ =	shalt  }
0x81: {  	_ =	shalt  }
0x82: {  	_ =	shalt  }
0x83: {  	_ =	shalt  }
0x84: {  	_ =	shalt  }
0x85: {  	_ =	shalt  }
0x86: {  	_ =	shalt  }
0x87: {  	_ =	shalt  }
.Lfunc_end0:
.L_simem_size_0:
called_computation_lowered:
.L_overlay_start_0:
0x88: {  	s2 =	sld [smem:$0x3FD9]  }
0x89: {  	s3 =	sld [smem:$0x3FFE];
	_ =	sdelay $0x1  }
0x8a: {  	s1 =	srdreg.scid  }
0x8b: {  	s0 =	sand.u32 $0x1, s1  }
0x8c: {  	s14 =	sshll.u32 s0, $0xA;
	s2 =	sadd.s32 s3, s2  }
0x8d: {  	s2 =	sadd.s32 s2, s14  }
0x8e: {  	[smem:$0x3FB5] =	sst s2  }
0x8f: {  	_ = 	snop  }
0x90: {  	s2 =	sld [smem:$0x3FD0];
	_ =	sdelay $0x2  }
0x91: {  	s4 =	simm.s32 $0xA;
	s5 =	simm.s32 $0x10;
	s15 =	sld [smem:$0x3FC9]  }
0x92: {  	[smem:s5], [sflag:s4] =	dma.local [hbm:s2], $0x1  }
0x93: {  	_ =	swait.eq [sflag:s4], $0x1  }
0x94: {  	[sflag:s4] =	ssyncset.done $0x0  }
0x95: {  	[sflag:s4] =	ssyncadd.s32 $0xFFFFFFFF  }
0x96: {  	s16 =	sld [smem:$0x12];
	(tm) =	ssettm $0x1  }
0x97: {  	s17 =	sld [smem:$0x3FFB];
	_ =	sdelay $0x3  }
0x98: {  	_ =	strace s17  }
0x99: {  	s4 =	sld [smem:$0x3FFC];
	_ =	sdelay $0x3  }
0x9a: {  	_ =	strace s4  }
0x9b: {  	s4 =	sld [smem:$0x3FFD];
	_ =	sdelay $0x3  }
0x9c: {  	_ =	strace s4  }
0x9d: {  	_ =	strace $0x8FFFFFFF  }
0x9e: {  	s18 =	sld [smem:$0x3FDB];
	_ =	sdelay $0x1  }
0x9f: {  	s19 =	simm.s32 $_scs_section_size  }
0xa0: {  	s6 =	simm.s32 $_size__tile_overlayer_lowered;
	s7 =	simm.s32 $_tile_overlayer_lowered  }
0xa1: {  	s22 =	simm.s32 $0x1BFF;
	s21 =	sshll.u32 s7, $0x1;
	s4 =	sadd.s32 s19, s18  }
0xa2: {  	s8 =	simm.s32 $0x0;
	s20 =	sshll.u32 s6, $0x1;
	s6 =	sadd.s32 s21, s4  }
0xa3: {  	[timem:s8], [sflag:s22] =	dma.local [hbm:s6], s20  }
0xa4: {  	_ =	swait.ge [sflag:s22], s20  }
0xa5: {  	s5 =	ssub.s32 $0x0, s20;
	[sflag:s22] =	ssyncset.done $0x0  }
0xa6: {  	[sflag:s22] =	ssyncadd.s32 s5;
	_ =	sdelay $0x1  }
0xa7: {  	s23 =	simm.s32 $0x1B8B  }
0xa8: {  	_ =	swait.ge [sflag:s23], $0x1  }
0xa9: {  	[sflag:s23] =	ssyncset.done $0x0  }
0xaa: {  	s25 =	simm.s32 $0x1B8E;
	s24 =	sld [smem:$0x3FFE];
	[sflag:s23] =	ssyncadd.s32 $0xFFFFFFFF  }
0xab: {  	s26 =	simm.s32 $execute0_lowered;
	[smem:$0x3FD2] =	sst s25  }
0xac: {  	s6 =	sshll.u32 s26, $0x1;
	_ =	strace $0x80000046;
	[dreg:$0x1] =	wrdreg $0xFFFFFFFF  }
0xad: {  	s28 =	simm.s32 $_size_execute0_lowered;
	s4 =	sadd.s32 s4, s6;
	[dreg:$0x0] =	wrdreg $0x0  }
0xae: {  	s6 =	sshll.u32 s28, $0x1;
	[dreg:$0x2] =	wrdreg s4  }
0xaf: {  	[dreg:$0x3] =	wrdreg s6  }
0xb0: {  	[dreg:$0x4] =	wrdreg $0xC0  }
0xb1: {  	_ =	task [dreg:s8], $0x5FFFF  }
0xb2: {  	[dreg:$0x1] =	wrdreg $0xFFFFFFFF  }
0xb3: {  	[dreg:$0x0] =	wrdreg $0x60  }
0xb4: {  	[dreg:$0x2] =	wrdreg s15  }
0xb5: {  	[dreg:$0x3] =	wrdreg s24  }
0xb6: {  	[dreg:$0x4] =	wrdreg s16  }
0xb7: {  	[dreg:$0x5] =	wrdreg $0x7A000  }
0xb8: {  	[dreg:$0x6] =	wrdreg $0x9  }
0xb9: {  	_ =	task.clear_ibuf [dreg:s8], $0x7FFFF;
	_ =	strace $0x90000046  }
0xba: {  	s29 =	simm.s32 $0x9;
	_ =	strace $0x80000048  }
0xbb: {  	_ =	swait.ge [sflag:s29], $0x1  }
0xbc: {  	[sflag:s29] =	ssyncadd.s32 $0xFFFFFFFF  }
0xbd: {  	_ =	strace $0x90000048  }
0xbe: {  	_ =	sfence  }
0xbf: {  	s30 =	sld [smem:$0x0];
	_ =	sdelay $0x2  }
0xc0: {  	s31 =	sshll.u32 s1, $0xD;
	s1 =	sshrl.u32 s1, $0x2  }
0xc1: {  	s3 =	sand.u32 $0x4000, s31;
	s1 =	sadd.s32 s1, s30  }
0xc2: {  	s0 =	sor.u32 s3, s0;
	s1 =	sshll.u32 s1, $0x11  }
0xc3: {  	s0 =	sor.u32 s1, s0  }
0xc4: {  	s0 =	sadd.s32 $0x8F2B, s0  }
0xc5: {  	[sflag:s0] =	ssyncadd.remote.s32 $0x1  }
0xc6: {  	_ =	sfence.sel $0xFFFF  }
0xc7: {  	[dreg:$0x0] =	wrdreg $0xFFFFFFFF;
	(pc) =	sbr.abs _section_cstart, $3  }
0xc8: {  	[dreg:$0x1] =	wrdreg $0xFFFFFFFF  }
0xc9: {  	_ =	task.clear_ibuf [dreg:s8], $0x2FFFF;
	_ =	strace $0x9FFFFFFF  }
0xca: {  	(tm) =	ssettm $0x7FFFFFFF  }
0xcb: {  	_ =	shalt  }
tec
execute0_lowered:
.L_overlay_start_1:
0x0: {  	(tag) =	ssettag $0x1  }
0x1: {  	s1 =	rddreg [dreg:$0x0]  }
0x2: {  	s0 =	rddreg [dreg:$0x1]  }
0x3: {  	s4 =	rddreg [dreg:$0x3];
	s2 =	stileid.u32  }
0x4: {  	s6 =	srdreg.scid;
	s5 =	simm.s32 $0x0;
	s18 =	simm.s32 $0x3  }
0x5: {  	s19 =	simm.s32 $0x5200;
	s20 =	simm.s32 $0x80;
	s21 =	simm.s32 $0x50  }
0x6: {  	s22 =	simm.s32 $0x200;
	s23 =	simm.s32 $0x100;
	s7 =	smul.u32 $0x13C00, s2  }
0x7: {  	s24 =	simm.s32 $0x180;
	s28 =	simm.s32 $0x2;
	s9 =	smul.u32 $0x4F000, s2  }
0x8: {  	s29 =	simm.s32 $0x0;
	s6 =	sand.u32 $0x1, s6;
	s11 =	smul.u32 $0x2710, s2  }
0x9: {  	[smem:$0x7FF] =	sst s5;
	s16 =	sadd.s32 $0xE600, s0;
	s8 =	smul.u32 $0x13C000, s6  }
0xa: {  	s15 =	sadd.s32 $0x4800, s0;
	s10 =	smul.u32 $0x27100, s6;
	s6 =	ssub.s32 $0x2, s6  }
0xb: {  	s26 =	sshll.u32 s2, $0x6;
	_ =	strace $0x80000047;
	s25 =	sshrl.u32 s6, $0x1  }
0xc: {  	s9 =	sshrl.u32 s9, $0x2;
	s8 =	sadd.s32 s7, s8;
	s7 =	sshrl.u32 s7, $0x3  }
0xd: {  	s12 =	sadd.s32 s11, s10;
	s13 =	ssub.s32 s6, s25;
	s17 =	sadd.s32 s9, s4  }
0xe: {  	s25 =	simm.s32 $0x2A00;
	s8 =	sshrl.u32 s8, $0x3;
	s7 =	sadd.s32 s7, s0  }
0xf: {  	s14 =	sshrl.u32 s12, $0x3;
	s31 =	sadd.s32 $0x50, s12;
	s12 =	smax.u32 s13, $0x1  }
0x10: {  	s17 =	sshrl.u32 s17, $0x3;
	s0 =	sadd.s32 s8, s0;
	s6 =	sadd.s32 $0x18400, s7  }
0x11: {  	s30 =	sadd.s32 $0x4D8, s14;
	s7 =	sor.u32 $0x1C03, s26;
	s13 =	sadd.s32 s14, s15  }
0x12: {  	s14 =	sadd.s32 s14, s16;
	s26 =	simm.s32 $0x1;
	s8 =	sadd.s32 s16, s30  }
0x13: {  	s10 =	sadd.s32 $0x3FC00, s0;
	s11 =	sadd.s32 $0x8EC00, s0;
	s0 =	sshrl.u32 s31, $0x3  }
0x14: {  	s9 =	sadd.s32 s15, s30;
	s15 =	sadd.s32 s0, s15;
	s16 =	sadd.s32 s0, s16  }
.LBB2_1:
0x15: {  	[spmem:s17], [sflag:s7] =	dma.local [hbm:s6], $0x2780  }
0x16: {  	_ =	swait.ge [sflag:s18], $0x2780  }
0x17: {  	[sflag:s18] =	ssyncset.done $0x0  }
0x18: {  	[sflag:s18] =	ssyncadd.s32 $0xFFFFD880  }
0x19: {  	s0 =	rddreg [dreg:$0x2]  }
0x1a: {  	[tilespmem:s19], [sflag:$0x3] =	stream.linear.gather [hbm4b:s0+s5], $0x2800, $0x38;
	[tilespmem:$0x1B600] =	vst v63  }
0x1b: {  	_ =	swait.ge [sflag:s18], $0x2800  }
0x1c: {  	[sflag:s18] =	ssyncset.done $0x0  }
0x1d: {  	[sflag:s18] =	ssyncadd.s32 $0xFFFFD800  }
0x1e: {  	s2 =	sadd.s32 $0x0, s14;
	[bflag:$0x0] =	sbarrier.arrive $0xFFFF  }
0x1f: {  	[tilespmem:s5], [sflag:$0x3] =	stream.linear.gather [hbm4b:s2+s5], $0x50, $0x38;
	[tilespmem:$0x1B600] =	vst v63  }
0x20: {  	_ =	swait.ge [sflag:s18], $0x50  }
0x21: {  	[sflag:s18] =	ssyncset.done $0x0  }
0x22: {  	s3 =	sadd.s32 $0x0, s13;
	[sflag:s18] =	ssyncadd.s32 $0xFFFFFFB0  }
0x23: {  	[tilespmem:s20], [sflag:$0x3] =	stream.linear.gather [hbm4b:s3+s5], $0x50, $0x38;
	[tilespmem:$0x1B600] =	vst v63  }
0x24: {  	_ =	swait.ge [sflag:s18], $0x50  }
0x25: {  	[sflag:s18] =	ssyncset.done $0x0  }
0x26: {  	[sflag:s18] =	ssyncadd.s32 $0xFFFFFFB0  }
0x27: {  	[tilespmem:s22], [sflag:$0x1] =	stream.indirect.gather [hbm4b:s1+s21], $0x80, s5, s21, $0xb8;
	[tilespmem:$0x1B600] =	vst v63  }
0x28: {  	s2 =	sadd.s32 $0x0, s16  }
0x29: {  	[tilespmem:s23], [sflag:$0x3] =	stream.linear.gather [hbm4b:s2+s5], $0x50, $0x38;
	[tilespmem:$0x1B600] =	vst v63  }
0x2a: {  	_ =	swait.ge [sflag:s18], $0x50  }
0x2b: {  	[sflag:s18] =	ssyncset.done $0x0  }
0x2c: {  	s3 =	sadd.s32 $0x0, s15;
	[sflag:s18] =	ssyncadd.s32 $0xFFFFFFB0  }
0x2d: {  	[tilespmem:s24], [sflag:$0x3] =	stream.linear.gather [hbm4b:s3+s5], $0x50, $0x38;
	[tilespmem:$0x1B600] =	vst v63  }
0x2e: {  	_ =	swait.ge [sflag:s18], $0x50  }
0x2f: {  	[sflag:s18] =	ssyncset.done $0x0  }
0x30: {  	[sflag:s18] =	ssyncadd.s32 $0xFFFFFFB0  }
0x31: {  	[tilespmem:s25], [sflag:$0x2] =	stream.indirect.gather [hbm4b:s1+s21], $0x80, s23, s21, $0xb8;
	[tilespmem:$0x1B600] =	vst v63  }
0x32: {  	_ =	swait.ge [sflag:s26], $0x2800  }
0x33: {  	[sflag:s26] =	ssyncset.done $0x0  }
0x34: {  	[sflag:s26] =	ssyncadd.s32 $0xFFFFD800  }
0x35: {  	[spmem:s4] =	stream.indirect.scatter.add.f32 [tilespmem:s22], [sflag:$0x3], $0x80, s20, s21, $0xb8;
	[tilespmem:$0x1B600] =	vst v63  }
0x36: {  	_ =	swait.ge [sflag:s18], $0x2800  }
0x37: {  	[sflag:s18] =	ssyncset.done $0x0  }
0x38: {  	[sflag:s18] =	ssyncadd.s32 $0xFFFFD800  }
0x39: {  	_ =	swait.ge [sflag:s28], $0x2800  }
0x3a: {  	[sflag:s28] =	ssyncset.done $0x0  }
0x3b: {  	[sflag:s28] =	ssyncadd.s32 $0xFFFFD800  }
0x3c: {  	[spmem:s4] =	stream.indirect.scatter.add.f32 [tilespmem:s25], [sflag:$0x3], $0x80, s24, s21, $0xb8;
	[tilespmem:$0x1B600] =	vst v63  }
0x3d: {  	_ =	swait.ge [sflag:s18], $0x2800  }
0x3e: {  	s30 =	simm.s32 $0x14;
	s31 =	simm.s32 $0x28;
	[sflag:s18] =	ssyncset.done $0x0  }
.LBB2_2:
0x3f: {  	s2 =	sadd.s32 s30, s14  }
0x40: {  	[sflag:s18] =	ssyncadd.s32 $0xFFFFD800;
	s3 =	smov.u32 s31;
	s0 =	sadd.s32 $0x14, s31  }
0x41: {  	[tilespmem:s5], [sflag:$0x3] =	stream.linear.gather [hbm4b:s2+s5], $0x50, $0x38;
	[tilespmem:$0x1B600] =	vst v63  }
0x42: {  	p0 =	sne.s32 s31, $0x4C4;
	_ =	swait.ge [sflag:s18], $0x50  }
0x43: {  	[sflag:s18] =	ssyncset.done $0x0  }
0x44: {  	s2 =	sadd.s32 s30, s13;
	[sflag:s18] =	ssyncadd.s32 $0xFFFFFFB0  }
0x45: {  	[tilespmem:s20], [sflag:$0x3] =	stream.linear.gather [hbm4b:s2+s5], $0x50, $0x38;
	[tilespmem:$0x1B600] =	vst v63  }
0x46: {  	_ =	swait.ge [sflag:s18], $0x50  }
0x47: {  	[sflag:s18] =	ssyncset.done $0x0  }
0x48: {  	[sflag:s18] =	ssyncadd.s32 $0xFFFFFFB0  }
0x49: {  	[tilespmem:s22], [sflag:$0x1] =	stream.indirect.gather [hbm4b:s1+s21], $0x80, s5, s21, $0xb8;
	[tilespmem:$0x1B600] =	vst v63  }
0x4a: {  	s2 =	sadd.s32 s30, s16  }
0x4b: {  	[tilespmem:s23], [sflag:$0x3] =	stream.linear.gather [hbm4b:s2+s5], $0x50, $0x38;
	[tilespmem:$0x1B600] =	vst v63  }
0x4c: {  	_ =	swait.ge [sflag:s18], $0x50  }
0x4d: {  	[sflag:s18] =	ssyncset.done $0x0  }
0x4e: {  	s2 =	sadd.s32 s30, s15;
	s30 =	smov.u32 s3;
	[sflag:s18] =	ssyncadd.s32 $0xFFFFFFB0  }
0x4f: {  	[tilespmem:s24], [sflag:$0x3] =	stream.linear.gather [hbm4b:s2+s5], $0x50, $0x38;
	[tilespmem:$0x1B600] =	vst v63  }
0x50: {  	_ =	swait.ge [sflag:s18], $0x50  }
0x51: {  	[sflag:s18] =	ssyncset.done $0x0  }
0x52: {  	[sflag:s18] =	ssyncadd.s32 $0xFFFFFFB0  }
0x53: {  	[tilespmem:s25], [sflag:$0x2] =	stream.indirect.gather [hbm4b:s1+s21], $0x80, s23, s21, $0xb8;
	[tilespmem:$0x1B600] =	vst v63  }
0x54: {  	_ =	swait.ge [sflag:s26], $0x2800  }
0x55: {  	[sflag:s26] =	ssyncset.done $0x0  }
0x56: {  	[sflag:s26] =	ssyncadd.s32 $0xFFFFD800  }
0x57: {  	[spmem:s4] =	stream.indirect.scatter.add.f32 [tilespmem:s22], [sflag:$0x3], $0x80, s20, s21, $0xb8;
	[tilespmem:$0x1B600] =	vst v63  }
0x58: {  	_ =	swait.ge [sflag:s18], $0x2800  }
0x59: {  	[sflag:s18] =	ssyncset.done $0x0  }
0x5a: {  	[sflag:s18] =	ssyncadd.s32 $0xFFFFD800  }
0x5b: {  	_ =	swait.ge [sflag:s28], $0x2800  }
.Ltmp0:
0x5c: {  	[sflag:s28] =	ssyncset.done $0x0;
	(pc) =	sbr.rel @p0 .LBB2_2-.Ltmp0, $4  }
0x5d: {  	[sflag:s28] =	ssyncadd.s32 $0xFFFFD800  }
0x5e: {  	[spmem:s4] =	stream.indirect.scatter.add.f32 [tilespmem:s25], [sflag:$0x3], $0x80, s24, s21, $0xb8;
	[tilespmem:$0x1B600] =	vst v63  }
0x5f: {  	_ =	swait.ge [sflag:s18], $0x2800  }
0x60: {  	s31 =	smov.u32 s0;
	[sflag:s18] =	ssyncset.done $0x0  }
0x61: {  	s0 =	sadd.s32 s30, s14;
	[sflag:s18] =	ssyncadd.s32 $0xFFFFD800  }
0x62: {  	[tilespmem:s5], [sflag:$0x3] =	stream.linear.gather [hbm4b:s0+s5], $0x50, $0x38;
	[tilespmem:$0x1B600] =	vst v63  }
0x63: {  	_ =	swait.ge [sflag:s18], $0x50  }
0x64: {  	[sflag:s18] =	ssyncset.done $0x0  }
0x65: {  	s2 =	sadd.s32 s30, s13;
	[sflag:s18] =	ssyncadd.s32 $0xFFFFFFB0  }
0x66: {  	[tilespmem:s20], [sflag:$0x3] =	stream.linear.gather [hbm4b:s2+s5], $0x50, $0x38;
	[tilespmem:$0x1B600] =	vst v63  }
0x67: {  	_ =	swait.ge [sflag:s18], $0x50  }
0x68: {  	[sflag:s18] =	ssyncset.done $0x0  }
0x69: {  	[sflag:s18] =	ssyncadd.s32 $0xFFFFFFB0  }
0x6a: {  	[tilespmem:s22], [sflag:$0x1] =	stream.indirect.gather [hbm4b:s1+s21], $0x80, s5, s21, $0xb8;
	[tilespmem:$0x1B600] =	vst v63  }
0x6b: {  	s3 =	sadd.s32 s30, s16  }
0x6c: {  	[tilespmem:s23], [sflag:$0x3] =	stream.linear.gather [hbm4b:s3+s5], $0x50, $0x38;
	[tilespmem:$0x1B600] =	vst v63  }
0x6d: {  	_ =	swait.ge [sflag:s18], $0x50  }
0x6e: {  	[sflag:s18] =	ssyncset.done $0x0  }
0x6f: {  	s31 =	sadd.s32 s30, s15;
	[sflag:s18] =	ssyncadd.s32 $0xFFFFFFB0  }
0x70: {  	[tilespmem:s24], [sflag:$0x3] =	stream.linear.gather [hbm4b:s31+s5], $0x50, $0x38;
	[tilespmem:$0x1B600] =	vst v63  }
0x71: {  	_ =	swait.ge [sflag:s18], $0x50  }
0x72: {  	[sflag:s18] =	ssyncset.done $0x0  }
0x73: {  	[sflag:s18] =	ssyncadd.s32 $0xFFFFFFB0  }
0x74: {  	[tilespmem:s25], [sflag:$0x2] =	stream.indirect.gather [hbm4b:s1+s21], $0x80, s23, s21, $0xb8;
	[tilespmem:$0x1B600] =	vst v63  }
0x75: {  	_ =	swait.ge [sflag:s26], $0x2800  }
0x76: {  	[sflag:s26] =	ssyncset.done $0x0  }
0x77: {  	[sflag:s26] =	ssyncadd.s32 $0xFFFFD800  }
0x78: {  	[spmem:s4] =	stream.indirect.scatter.add.f32 [tilespmem:s22], [sflag:$0x3], $0x80, s20, s21, $0xb8;
	[tilespmem:$0x1B600] =	vst v63  }
0x79: {  	_ =	swait.ge [sflag:s18], $0x2800  }
0x7a: {  	[sflag:s18] =	ssyncset.done $0x0  }
0x7b: {  	[sflag:s18] =	ssyncadd.s32 $0xFFFFD800  }
0x7c: {  	_ =	swait.ge [sflag:s28], $0x2800  }
0x7d: {  	[sflag:s28] =	ssyncset.done $0x0  }
0x7e: {  	[sflag:s28] =	ssyncadd.s32 $0xFFFFD800  }
0x7f: {  	[spmem:s4] =	stream.indirect.scatter.add.f32 [tilespmem:s25], [sflag:$0x3], $0x80, s24, s21, $0xb8;
	[tilespmem:$0x1B600] =	vst v63  }
0x80: {  	_ =	swait.ge [sflag:s18], $0x2800  }
0x81: {  	[sflag:s18] =	ssyncset.done $0x0  }
0x82: {  	s2 =	simm.s32 $0x0;
	[sflag:s18] =	ssyncadd.s32 $0xFFFFD800  }
0x83: {  	[tilespmem:s2], [sflag:$0x3] =	stream.linear.gather [hbm4b:s8+s2], $0x50, $0x38;
	[tilespmem:$0x1B600] =	vst v63  }
0x84: {  	_ =	swait.ge [sflag:s18], $0x50  }
0x85: {  	[sflag:s18] =	ssyncset.done $0x0  }
0x86: {  	[sflag:s18] =	ssyncadd.s32 $0xFFFFFFB0  }
0x87: {  	[tilespmem:s20], [sflag:$0x3] =	stream.linear.gather [hbm4b:s9+s2], $0x50, $0x38;
	[tilespmem:$0x1B600] =	vst v63  }
0x88: {  	_ =	swait.ge [sflag:s18], $0x50  }
0x89: {  	[sflag:s18] =	ssyncset.done $0x0  }
0x8a: {  	[sflag:s18] =	ssyncadd.s32 $0xFFFFFFB0  }
0x8b: {  	[tilespmem:s22], [sflag:$0x1] =	stream.indirect.gather [hbm4b:s1+s21], $0x80, s2, s21, $0xb8;
	[tilespmem:$0x1B600] =	vst v63  }
0x8c: {  	_ =	swait.ge [sflag:s26], $0x2800  }
0x8d: {  	[sflag:s26] =	ssyncset.done $0x0  }
0x8e: {  	[sflag:s26] =	ssyncadd.s32 $0xFFFFD800  }
0x8f: {  	[spmem:s4] =	stream.indirect.scatter.add.f32 [tilespmem:s22], [sflag:$0x3], $0x80, s20, s21, $0xb8;
	[tilespmem:$0x1B600] =	vst v63  }
0x90: {  	_ =	swait.ge [sflag:s18], $0x2800  }
0x91: {  	[sflag:s18] =	ssyncset.done $0x0  }
0x92: {  	[sflag:s18] =	ssyncadd.s32 $0xFFFFD800  }
0x93: {  	[bflag:$0x0] =	sbarrier.arrive $0xFFFF  }
0x94: {  	[hbm:s10], [sflag:s7] =	dma.local [spmem:s17], $0x2780  }
0x95: {  	_ =	swait.ge [sflag:s18], $0x2780  }
0x96: {  	[sflag:s18] =	ssyncset.done $0x0  }
0x97: {  	[sflag:s18] =	ssyncadd.s32 $0xFFFFD880  }
0x98: {  	[bflag:$0x0] =	sbarrier.arrive $0xFFFF  }
0x99: {  	[spmem:s17], [sflag:s7] =	dma.local [hbm:s6], $0x2780  }
0x9a: {  	_ =	swait.ge [sflag:s18], $0x2780  }
0x9b: {  	[sflag:s18] =	ssyncset.done $0x0  }
0x9c: {  	[sflag:s18] =	ssyncadd.s32 $0xFFFFD880  }
0x9d: {  	s3 =	sadd.s32 $0x0, s13;
	[bflag:$0x0] =	sbarrier.arrive $0xFFFF  }
0x9e: {  	[tilespmem:s20], [sflag:$0x1] =	stream.linear.gather [hbm4b:s3+s5], $0x50, $0x38;
	[tilespmem:$0x1B600] =	vst v63  }
0x9f: {  	s31 =	sadd.s32 $0x0, s15  }
0xa0: {  	[tilespmem:s24], [sflag:$0x2] =	stream.linear.gather [hbm4b:s31+s5], $0x50, $0x38;
	[tilespmem:$0x1B600] =	vst v63  }
0xa1: {  	_ =	swait.ge [sflag:s26], $0x50  }
0xa2: {  	[sflag:s26] =	ssyncset.done $0x0  }
0xa3: {  	[sflag:s26] =	ssyncadd.s32 $0xFFFFFFB0  }
0xa4: {  	[spmem:s4] =	stream.indirect.scatter.add.f32 [tilespmem:s19], [sflag:$0x3], $0x80, s20, s21, $0xb8;
	[tilespmem:$0x1B600] =	vst v63  }
0xa5: {  	_ =	swait.ge [sflag:s18], $0x2800  }
0xa6: {  	[sflag:s18] =	ssyncset.done $0x0  }
0xa7: {  	[sflag:s18] =	ssyncadd.s32 $0xFFFFD800  }
0xa8: {  	_ =	swait.ge [sflag:s28], $0x50  }
0xa9: {  	[sflag:s28] =	ssyncset.done $0x0  }
0xaa: {  	[sflag:s28] =	ssyncadd.s32 $0xFFFFFFB0  }
0xab: {  	[spmem:s4] =	stream.indirect.scatter.add.f32 [tilespmem:s19], [sflag:$0x3], $0x80, s24, s21, $0xb8;
	[tilespmem:$0x1B600] =	vst v63  }
0xac: {  	_ =	swait.ge [sflag:s18], $0x2800  }
0xad: {  	s30 =	simm.s32 $0x14;
	s0 =	simm.s32 $0x28;
	[sflag:s18] =	ssyncset.done $0x0  }
.LBB2_4:
0xae: {  	s2 =	sadd.s32 s30, s13  }
0xaf: {  	[sflag:s18] =	ssyncadd.s32 $0xFFFFD800;
	s3 =	smov.u32 s0;
	s31 =	sadd.s32 $0x14, s0  }
0xb0: {  	[tilespmem:s20], [sflag:$0x1] =	stream.linear.gather [hbm4b:s2+s5], $0x50, $0x38;
	[tilespmem:$0x1B600] =	vst v63  }
0xb1: {  	p0 =	sne.s32 s0, $0x4C4;
	s0 =	sadd.s32 s30, s15;
	s30 =	smov.u32 s3  }
0xb2: {  	[tilespmem:s24], [sflag:$0x2] =	stream.linear.gather [hbm4b:s0+s5], $0x50, $0x38;
	[tilespmem:$0x1B600] =	vst v63  }
0xb3: {  	_ =	swait.ge [sflag:s26], $0x50  }
0xb4: {  	[sflag:s26] =	ssyncset.done $0x0  }
0xb5: {  	[sflag:s26] =	ssyncadd.s32 $0xFFFFFFB0  }
0xb6: {  	[spmem:s4] =	stream.indirect.scatter.add.f32 [tilespmem:s19], [sflag:$0x3], $0x80, s20, s21, $0xb8;
	[tilespmem:$0x1B600] =	vst v63  }
0xb7: {  	_ =	swait.ge [sflag:s18], $0x2800  }
0xb8: {  	[sflag:s18] =	ssyncset.done $0x0  }
0xb9: {  	[sflag:s18] =	ssyncadd.s32 $0xFFFFD800  }
0xba: {  	_ =	swait.ge [sflag:s28], $0x50  }
.Ltmp1:
0xbb: {  	[sflag:s28] =	ssyncset.done $0x0;
	(pc) =	sbr.rel @p0 .LBB2_4-.Ltmp1, $4  }
0xbc: {  	[sflag:s28] =	ssyncadd.s32 $0xFFFFFFB0  }
0xbd: {  	[spmem:s4] =	stream.indirect.scatter.add.f32 [tilespmem:s19], [sflag:$0x3], $0x80, s24, s21, $0xb8;
	[tilespmem:$0x1B600] =	vst v63  }
0xbe: {  	_ =	swait.ge [sflag:s18], $0x2800  }
0xbf: {  	s0 =	smov.u32 s31;
	[sflag:s18] =	ssyncset.done $0x0  }
0xc0: {  	s0 =	sadd.s32 s30, s13;
	[sflag:s18] =	ssyncadd.s32 $0xFFFFD800  }
0xc1: {  	[tilespmem:s20], [sflag:$0x1] =	stream.linear.gather [hbm4b:s0+s5], $0x50, $0x38;
	[tilespmem:$0x1B600] =	vst v63  }
0xc2: {  	s31 =	sadd.s32 s30, s15  }
0xc3: {  	[tilespmem:s24], [sflag:$0x2] =	stream.linear.gather [hbm4b:s31+s5], $0x50, $0x38;
	[tilespmem:$0x1B600] =	vst v63  }
0xc4: {  	_ =	swait.ge [sflag:s26], $0x50  }
0xc5: {  	[sflag:s26] =	ssyncset.done $0x0  }
0xc6: {  	[sflag:s26] =	ssyncadd.s32 $0xFFFFFFB0  }
0xc7: {  	[spmem:s4] =	stream.indirect.scatter.add.f32 [tilespmem:s19], [sflag:$0x3], $0x80, s20, s21, $0xb8;
	[tilespmem:$0x1B600] =	vst v63  }
0xc8: {  	_ =	swait.ge [sflag:s18], $0x2800  }
0xc9: {  	[sflag:s18] =	ssyncset.done $0x0  }
0xca: {  	[sflag:s18] =	ssyncadd.s32 $0xFFFFD800  }
0xcb: {  	_ =	swait.ge [sflag:s28], $0x50  }
0xcc: {  	[sflag:s28] =	ssyncset.done $0x0  }
0xcd: {  	[sflag:s28] =	ssyncadd.s32 $0xFFFFFFB0  }
0xce: {  	[spmem:s4] =	stream.indirect.scatter.add.f32 [tilespmem:s19], [sflag:$0x3], $0x80, s24, s21, $0xb8;
	[tilespmem:$0x1B600] =	vst v63  }
0xcf: {  	_ =	swait.ge [sflag:s18], $0x2800  }
0xd0: {  	[sflag:s18] =	ssyncset.done $0x0  }
0xd1: {  	[sflag:s18] =	ssyncadd.s32 $0xFFFFD800  }
0xd2: {  	[tilespmem:s20], [sflag:$0x3] =	stream.linear.gather [hbm4b:s9+s5], $0x50, $0x38;
	[tilespmem:$0x1B600] =	vst v63  }
0xd3: {  	_ =	swait.ge [sflag:s18], $0x50  }
0xd4: {  	[sflag:s18] =	ssyncset.done $0x0  }
0xd5: {  	[sflag:s18] =	ssyncadd.s32 $0xFFFFFFB0  }
0xd6: {  	[spmem:s4] =	stream.indirect.scatter.add.f32 [tilespmem:s19], [sflag:$0x3], $0x80, s20, s21, $0xb8;
	[tilespmem:$0x1B600] =	vst v63  }
0xd7: {  	_ =	swait.ge [sflag:s18], $0x2800  }
0xd8: {  	s29 =	sadd.s32 $0x1, s29;
	[sflag:s18] =	ssyncset.done $0x0  }
0xd9: {  	p0 =	sne.s32 s29, s12;
	[sflag:s18] =	ssyncadd.s32 $0xFFFFD800  }
.Ltmp2:
0xda: {  	[bflag:$0x0] =	sbarrier.arrive $0xFFFF;
	(pc) =	sbr.rel @p0 .LBB2_1-.Ltmp2, $4  }
0xdb: {  	[hbm:s11], [sflag:s7] =	dma.local [spmem:s17], $0x2780  }
0xdc: {  	_ =	swait.ge [sflag:s18], $0x2780  }
0xdd: {  	[sflag:s18] =	ssyncset.done $0x0  }
0xde: {  	[sflag:s18] =	ssyncadd.s32 $0xFFFFD880  }
0xdf: {  	_ =	sfence.sel $0x180000  }
0xe0: {  	[bflag:$0x0] =	sbarrier.arrive $0xFFFF  }
0xe1: {  	_ =	strace $0x90000047  }
0xe2: {  	s0 =	stileid.u32;
	[bflag:$0x2] =	sbarrier.arrive $0xFFFF  }
0xe3: {  	p0 =	sne.s32 s0, $0x0;
	s0 =	rddreg [dreg:$0x4]  }
0xe4: {  	s0 =	sadd.s32 @!p0 $0x100000, s0  }
0xe5: {  	[sflag:s0] =	ssyncadd.tile.s32 @!p0 $0x1;
	_ =	shalt  }
.Lfunc_end2:
_tile_overlayer_lowered:
.L_overlay_start_2:
0xe6: {  	(tag) =	ssettag $0x2  }
0xe7: {  	s0 =	rddreg [dreg:$0x0];
	s2 =	stileid.u32  }
0xe8: {  	s1 =	rddreg [dreg:$0x1];
	p0 =	sne.s32 s2, $0x0  }
0xe9: {  	s3 =	rddreg [dreg:$0x2];
	[bflag:$0x3] =	sbarrier.arrive $0xFFFF;
	s2 =	simm.s32 @!p0 $0x1C03  }
0xea: {  	[timem:s3], [sflag:s2] =	dma.local @!p0 [hbm:s0], s1  }
0xeb: {  	s0 =	simm.s32 @!p0 $0x3  }
0xec: {  	_ =	swait.ge @!p0 [sflag:s0], s1  }
0xed: {  	s1 =	ssub.s32 @!p0 $0x0, s1;
	[sflag:s0] =	ssyncset.done @!p0 $0x0  }
0xee: {  	[sflag:s0] =	ssyncadd.s32 @!p0 s1  }
0xef: {  	[bflag:$0x3] =	sbarrier.arrive $0xFFFF  }
0xf0: {  	_ =	shalt  }

// kernel: kernel.9.cloned.1.call-start
scs
__scs_entry_jumppad:
0x0: {  	(pc) =	sbr.rel $0x88, $3  }
0x1: {  	(tag) =	ssettag $0x0;
	lr =	simm.s32 $0x1  }
0x2: {  	[smem:$0x3F8E] =	sst lr;
	_ =	strace $0xD0000000  }
0x3: {  	_ = 	snop  }
0x4: {  	_ = 	snop  }
0x5: {  	_ = 	snop  }
0x6: {  	_ = 	snop  }
0x7: {  	_ = 	snop  }
__scs_overlays_trampoline_lowered:
0x8: {  	[smem:$0x3F9D] =	sst s0  }
0x9: {  	[smem:$0x3F9E] =	sst s1  }
0xa: {  	[smem:$0x3F9F] =	sst s2  }
0xb: {  	[smem:$0x3FA0] =	sst s3  }
0xc: {  	[smem:$0x3FA1] =	sst s4  }
0xd: {  	[smem:$0x3FA2] =	sst s5  }
0xe: {  	[smem:$0x3FA3] =	sst s6  }
0xf: {  	[smem:$0x3FA4] =	sst s7  }
0x10: {  	[smem:$0x3FA5] =	sst s8  }
0x11: {  	[smem:$0x3FA6] =	sst s9;
	s0 =	simm.s32 @!p0 $0x0  }
0x12: {  	s1 =	sld [smem:$0x3F8C];
	s0 =	simm.s32 @p0 $0x1  }
0x13: {  	[smem:$0x3FA7] =	sst s0;
	s0 =	simm.s32 @!p1 $0x0  }
0x14: {  	s2 =	sld [smem:$0x3F8B];
	s0 =	simm.s32 @p1 $0x1  }
0x15: {  	[smem:$0x3FA8] =	sst s0;
	s0 =	simm.s32 @!p2 $0x0  }
0x16: {  	s3 =	sld [smem:$0x3FDB];
	s0 =	simm.s32 @p2 $0x1  }
0x17: {  	s4 =	simm.s32 $0x1BF5;
	[smem:$0x3FAA] =	sst s0  }
0x18: {  	s0 =	sld [smem:$0x3F8D];
	_ =	swait.ge [sflag:s4], $0x0  }
0x19: {  	s7 =	sld [smem:$0x3F8E]  }
0x1a: {  	s8 =	sadd.s32 $0xFFFFE003, lr  }
0x1b: {  	s9 =	sadd.s32 $0xFFFFFEF7, lr;
	s5 =	simm.s32 $0xFFFFFFFF;
	p2 =	slt.u32 s8, $0xFFFFF086  }
0x1c: {  	p1 =	slt.u32 s9, $0xF7A;
	s5 =	simm.s32 @!p2 $0x0  }
0x1d: {  	s5 =	simm.s32 @p1 $0x1;
	p0 =	seq.s32 s7, s2  }
0x1e: {  	s7 =	smul.u32 @!p0 $0xF7A, s2;
	p2 =	seq.s32 @!p0 s5, $0x0  }
0x1f: {  	s9 =	smul.u32 $0xF7A, s1;
	s8 =	simm.s32 @!p0 $0x1BF5;
	p2 =	por !p2, p0  }
0x20: {  	[sflag:s8] =	ssyncset.s32 @!p0 $0xFFFFF086;
	s6 =	sadd.s32 @!p0 s3, s7;
	s7 =	simm.s32 @!p0 $0x108  }
0x21: {  	s3 =	sadd.s32 s3, s9;
	s6 =	sadd.s32 @!p0 $0x88, s6;
	s7 =	simm.s32 @p2 $0x1082  }
0x22: {  	[simem:s7], [sflag:s8] =	dma.local @!p0 [hbm:s6], $0xF7A  }
0x23: {  	s9 =	sor.u32 $0xD0000000, s2;
	s6 =	simm.s32 $0x108;
	_ =	swait.ge @!p0 [sflag:s8], $0x0  }
0x24: {  	s3 =	sadd.s32 $0x88, s3;
	s6 =	simm.s32 @!p1 $0x1082;
	[sflag:s4] =	ssyncset.s32 $0xFFFFF086  }
0x25: {  	[simem:s6], [sflag:s4] =	dma.local [hbm:s3], $0xF7A  }
0x26: {  	[smem:$0x3F8E] =	sst s1;
	(tag) =	ssettag s2;
	_ =	strace s9  }
0x27: {  	s1 =	sld [smem:$0x3F9E]  }
0x28: {  	s2 =	sld [smem:$0x3F9F]  }
0x29: {  	s4 =	sld [smem:$0x3FA1]  }
0x2a: {  	p0 =	seq.s32 s5, $0x0;
	s5 =	sld [smem:$0x3FA2]  }
0x2b: {  	s6 =	sld [smem:$0x3FA3]  }
0x2c: {  	s7 =	sld [smem:$0x3FA4]  }
0x2d: {  	s3 =	simm.s32 $0x108;
	s8 =	sld [smem:$0x3FA5]  }
0x2e: {  	s3 =	simm.s32 @!p0 $0x1082;
	s9 =	sld [smem:$0x3FA6]  }
0x2f: {  	lr =	sadd.s32 s0, s3;
	s0 =	sld [smem:$0x3F9D]  }
0x30: {  	s3 =	sld [smem:$0x3FA0]  }
0x31: {  	[smem:$0x3FA9] =	sst s10  }
0x32: {  	s10 =	sld [smem:$0x3FA7];
	_ =	sdelay $0x3  }
0x33: {  	p0 =	seq.s32 s10, $0x1;
	s10 =	sld [smem:$0x3FA9];
	_ =	sdelay $0x3  }
0x34: {  	[smem:$0x3FA9] =	sst s10  }
0x35: {  	s10 =	sld [smem:$0x3FA8];
	_ =	sdelay $0x3  }
0x36: {  	p1 =	seq.s32 s10, $0x1;
	s10 =	sld [smem:$0x3FA9];
	_ =	sdelay $0x3  }
0x37: {  	[smem:$0x3FA9] =	sst s10  }
0x38: {  	s10 =	sld [smem:$0x3FAA]  }
0x39: {  	_ = 	snop;
	(pc) =	sbr.ind lr, $3  }
0x3a: {  	_ = 	snop  }
0x3b: {  	_ = 	snop  }
0x3c: {  	p2 =	seq.s32 s10, $0x1;
	s10 =	sld [smem:$0x3FA9]  }
0x3d: {  	_ =	shalt  }
0x3e: {  	_ =	shalt  }
0x3f: {  	_ =	shalt  }
0x40: {  	_ =	shalt  }
0x41: {  	_ =	shalt  }
0x42: {  	_ =	shalt  }
0x43: {  	_ =	shalt  }
0x44: {  	_ =	shalt  }
0x45: {  	_ =	shalt  }
0x46: {  	_ =	shalt  }
0x47: {  	_ =	shalt  }
0x48: {  	_ =	shalt  }
0x49: {  	_ =	shalt  }
0x4a: {  	_ =	shalt  }
0x4b: {  	_ =	shalt  }
0x4c: {  	_ =	shalt  }
0x4d: {  	_ =	shalt  }
0x4e: {  	_ =	shalt  }
0x4f: {  	_ =	shalt  }
0x50: {  	_ =	shalt  }
0x51: {  	_ =	shalt  }
0x52: {  	_ =	shalt  }
0x53: {  	_ =	shalt  }
0x54: {  	_ =	shalt  }
0x55: {  	_ =	shalt  }
0x56: {  	_ =	shalt  }
0x57: {  	_ =	shalt  }
0x58: {  	_ =	shalt  }
0x59: {  	_ =	shalt  }
0x5a: {  	_ =	shalt  }
0x5b: {  	_ =	shalt  }
0x5c: {  	_ =	shalt  }
0x5d: {  	_ =	shalt  }
0x5e: {  	_ =	shalt  }
0x5f: {  	_ =	shalt  }
0x60: {  	_ =	shalt  }
0x61: {  	_ =	shalt  }
0x62: {  	_ =	shalt  }
0x63: {  	_ =	shalt  }
0x64: {  	_ =	shalt  }
0x65: {  	_ =	shalt  }
0x66: {  	_ =	shalt  }
0x67: {  	_ =	shalt  }
0x68: {  	_ =	shalt  }
0x69: {  	_ =	shalt  }
0x6a: {  	_ =	shalt  }
0x6b: {  	_ =	shalt  }
0x6c: {  	_ =	shalt  }
0x6d: {  	_ =	shalt  }
0x6e: {  	_ =	shalt  }
0x6f: {  	_ =	shalt  }
0x70: {  	_ =	shalt  }
0x71: {  	_ =	shalt  }
0x72: {  	_ =	shalt  }
0x73: {  	_ =	shalt  }
0x74: {  	_ =	shalt  }
0x75: {  	_ =	shalt  }
0x76: {  	_ =	shalt  }
0x77: {  	_ =	shalt  }
0x78: {  	_ =	shalt  }
0x79: {  	_ =	shalt  }
0x7a: {  	_ =	shalt  }
0x7b: {  	_ =	shalt  }
0x7c: {  	_ =	shalt  }
0x7d: {  	_ =	shalt  }
0x7e: {  	_ =	shalt  }
0x7f: {  	_ =	shalt  }
0x80: {  	_ =	shalt  }
0x81: {  	_ =	shalt  }
0x82: {  	_ =	shalt  }
0x83: {  	_ =	shalt  }
0x84: {  	_ =	shalt  }
0x85: {  	_ =	shalt  }
0x86: {  	_ =	shalt  }
0x87: {  	_ =	shalt  }
.Lfunc_end0:
.L_simem_size_0:
called_computation.1_lowered:
.L_overlay_start_0:
0x88: {  	s2 =	sld [smem:$0x3FD9]  }
0x89: {  	s3 =	sld [smem:$0x3FFE];
	_ =	sdelay $0x1  }
0x8a: {  	s1 =	srdreg.scid  }
0x8b: {  	s0 =	sand.u32 $0x1, s1  }
0x8c: {  	s14 =	sshll.u32 s0, $0xA;
	s2 =	sadd.s32 s3, s2  }
0x8d: {  	s2 =	sadd.s32 s2, s14  }
0x8e: {  	[smem:$0x3FB5] =	sst s2  }
0x8f: {  	_ = 	snop  }
0x90: {  	s2 =	sld [smem:$0x3FD0];
	_ =	sdelay $0x2  }
0x91: {  	s15 =	simm.s32 $0xA;
	s4 =	simm.s32 $0x10  }
0x92: {  	[smem:s4], [sflag:s15] =	dma.local [hbm:s2], $0x1  }
0x93: {  	_ =	swait.eq [sflag:s15], $0x1  }
0x94: {  	[sflag:s15] =	ssyncset.done $0x0  }
0x95: {  	s16 =	sld [smem:$0x11];
	[sflag:s15] =	ssyncadd.s32 $0xFFFFFFFF  }
0x96: {  	s17 =	sld [smem:$0x12];
	(tm) =	ssettm $0x1  }
0x97: {  	s18 =	sld [smem:$0x3FFB];
	_ =	sdelay $0x3  }
0x98: {  	_ =	strace s18  }
0x99: {  	s4 =	sld [smem:$0x3FFC];
	_ =	sdelay $0x3  }
0x9a: {  	_ =	strace s4  }
0x9b: {  	s4 =	sld [smem:$0x3FFD];
	_ =	sdelay $0x3  }
0x9c: {  	_ =	strace s4  }
0x9d: {  	_ =	strace $0x8FFFFFFF  }
0x9e: {  	s19 =	sld [smem:$0x3FDB];
	_ =	sdelay $0x1  }
0x9f: {  	s5 =	simm.s32 $_scs_section_size  }
0xa0: {  	s6 =	simm.s32 $_size__tile_overlayer_lowered;
	s7 =	simm.s32 $_tile_overlayer_lowered  }
0xa1: {  	s22 =	simm.s32 $0x1BFF;
	s21 =	sshll.u32 s7, $0x1;
	s4 =	sadd.s32 s5, s19  }
0xa2: {  	s8 =	simm.s32 $0x0;
	s20 =	sshll.u32 s6, $0x1;
	s6 =	sadd.s32 s21, s4  }
0xa3: {  	[timem:s8], [sflag:s22] =	dma.local [hbm:s6], s20  }
0xa4: {  	_ =	swait.ge [sflag:s22], s20  }
0xa5: {  	s5 =	ssub.s32 $0x0, s20;
	[sflag:s22] =	ssyncset.done $0x0  }
0xa6: {  	[sflag:s22] =	ssyncadd.s32 s5;
	_ =	sdelay $0x1  }
0xa7: {  	s23 =	simm.s32 $0x1B8B  }
0xa8: {  	_ =	swait.ge [sflag:s23], $0x1  }
0xa9: {  	[sflag:s23] =	ssyncset.done $0x0  }
0xaa: {  	s25 =	simm.s32 $0x1B8E;
	s24 =	sld [smem:$0x3FFE];
	[sflag:s23] =	ssyncadd.s32 $0xFFFFFFFF  }
0xab: {  	s26 =	simm.s32 $execute0_lowered;
	[smem:$0x3FD2] =	sst s25  }
0xac: {  	s6 =	sshll.u32 s26, $0x1;
	_ =	strace $0x80000049;
	[dreg:$0x1] =	wrdreg $0xFFFFFFFF  }
0xad: {  	s28 =	simm.s32 $_size_execute0_lowered;
	s4 =	sadd.s32 s4, s6;
	[dreg:$0x0] =	wrdreg $0x0  }
0xae: {  	s6 =	sshll.u32 s28, $0x1;
	[dreg:$0x2] =	wrdreg s4  }
0xaf: {  	[dreg:$0x3] =	wrdreg s6  }
0xb0: {  	[dreg:$0x4] =	wrdreg $0xC0  }
0xb1: {  	_ =	task [dreg:s8], $0x5FFFF  }
0xb2: {  	[dreg:$0x1] =	wrdreg $0xFFFFFFFF  }
0xb3: {  	[dreg:$0x0] =	wrdreg $0x60  }
0xb4: {  	[dreg:$0x2] =	wrdreg s17  }
0xb5: {  	[dreg:$0x3] =	wrdreg s16  }
0xb6: {  	[dreg:$0x4] =	wrdreg s24  }
0xb7: {  	[dreg:$0x5] =	wrdreg $0x52000  }
0xb8: {  	[dreg:$0x6] =	wrdreg $0x9  }
0xb9: {  	_ =	task.clear_ibuf [dreg:s8], $0x7FFFF;
	_ =	strace $0x90000049  }
0xba: {  	s29 =	simm.s32 $0x9;
	_ =	strace $0x8000004B  }
0xbb: {  	_ =	swait.ge [sflag:s29], $0x1  }
0xbc: {  	[sflag:s29] =	ssyncadd.s32 $0xFFFFFFFF  }
0xbd: {  	_ =	strace $0x9000004B  }
0xbe: {  	_ =	sfence  }
0xbf: {  	s30 =	sld [smem:$0x0];
	_ =	sdelay $0x2  }
0xc0: {  	s31 =	sshll.u32 s1, $0xD;
	s1 =	sshrl.u32 s1, $0x2  }
0xc1: {  	s3 =	sand.u32 $0x4000, s31;
	s1 =	sadd.s32 s1, s30  }
0xc2: {  	s0 =	sor.u32 s3, s0;
	s1 =	sshll.u32 s1, $0x11  }
0xc3: {  	s0 =	sor.u32 s1, s0  }
0xc4: {  	s0 =	sadd.s32 $0x8F2B, s0  }
0xc5: {  	[sflag:s0] =	ssyncadd.remote.s32 $0x1  }
0xc6: {  	_ =	sfence.sel $0xFFFF  }
0xc7: {  	[dreg:$0x0] =	wrdreg $0xFFFFFFFF;
	(pc) =	sbr.abs _section_cstart, $3  }
0xc8: {  	[dreg:$0x1] =	wrdreg $0xFFFFFFFF  }
0xc9: {  	_ =	task.clear_ibuf [dreg:s8], $0x2FFFF;
	_ =	strace $0x9FFFFFFF  }
0xca: {  	(tm) =	ssettm $0x7FFFFFFF  }
0xcb: {  	_ =	shalt  }
tec
execute0_lowered:
.L_overlay_start_1:
0x0: {  	(tag) =	ssettag $0x1  }
0x1: {  	s1 =	rddreg [dreg:$0x0]  }
0x2: {  	s3 =	rddreg [dreg:$0x1]  }
0x3: {  	s6 =	rddreg [dreg:$0x2]  }
0x4: {  	s4 =	rddreg [dreg:$0x3]  }
0x5: {  	s0 =	rddreg [dreg:$0x4]  }
0x6: {  	s2 =	stileid.u32;
	s8 =	srdreg.scid  }
0x7: {  	s5 =	simm.s32 $0x0;
	s14 =	simm.s32 $0x80;
	s15 =	simm.s32 $0x50  }
0x8: {  	s16 =	simm.s32 $0x200;
	s17 =	simm.s32 $0x100;
	s18 =	simm.s32 $0x180  }
0x9: {  	s19 =	simm.s32 $0x2A00;
	s20 =	simm.s32 $0x1;
	s7 =	smul.u32 $0x9C4, s2  }
0xa: {  	s21 =	simm.s32 $0x2;
	s22 =	simm.s32 $0x0;
	s9 =	smul.u32 $0x13C00, s2  }
0xb: {  	s8 =	sand.u32 $0x1, s8;
	[smem:$0x7FF] =	sst s5;
	s29 =	smul.u32 $0x4F000, s2  }
0xc: {  	s31 =	sshll.u32 s2, $0x6;
	s10 =	smul.u32 $0x13C000, s8;
	_ =	strace $0x8000004A  }
0xd: {  	s12 =	ssub.s32 $0x2, s8;
	p0 =	seq.s32 s8, $0x1;
	s11 =	sadd.s32 s7, s6  }
0xe: {  	s28 =	sshrl.u32 s9, $0x3;
	s30 =	sshrl.u32 s12, $0x1;
	s9 =	sadd.s32 s9, s10  }
.Ltmp0:
0xf: {  	s7 =	sadd.s32 s28, s6;
	s10 =	sshrl.u32 s29, $0x2;
	(pc) =	sbr.rel .LBB2_1-.Ltmp0, $4  }
0x10: {  	s12 =	ssub.s32 s12, s30;
	s9 =	sshrl.u32 s9, $0x3;
	s13 =	sadd.s32 s10, s4  }
0x11: {  	s10 =	sadd.s32 $0x4800, s11;
	s11 =	sadd.s32 $0xE600, s11;
	s9 =	sadd.s32 s9, s6  }
0x12: {  	s6 =	sadd.s32 $0x18400, s7;
	s7 =	sor.u32 $0x1C03, s31;
	s8 =	sadd.s32 $0x3FC00, s9  }
0x13: {  	s9 =	smax.u32 s12, $0x1;
	s12 =	sshrl.u32 s13, $0x3;
	s13 =	simm.s32 $0x3  }
.LBB2_7:
0x14: {  	s24 =	sadd.s32 s23, s11;
	[sflag:s13] =	ssyncadd.s32 $0xFFFFD800  }
0x15: {  	[tilespmem:s5], [sflag:$0x3] =	stream.linear.gather [hbm4b:s24+s5], $0x50, $0x38;
	[tilespmem:$0x18E00] =	vst v63  }
0x16: {  	_ =	swait.ge [sflag:s13], $0x50  }
0x17: {  	[sflag:s13] =	ssyncset.done $0x0  }
0x18: {  	s31 =	sadd.s32 s23, s10;
	[sflag:s13] =	ssyncadd.s32 $0xFFFFFFB0  }
0x19: {  	[tilespmem:s14], [sflag:$0x3] =	stream.linear.gather [hbm4b:s31+s5], $0x50, $0x38;
	[tilespmem:$0x18E00] =	vst v63  }
0x1a: {  	_ =	swait.ge [sflag:s13], $0x50  }
0x1b: {  	[sflag:s13] =	ssyncset.done $0x0  }
0x1c: {  	[sflag:s13] =	ssyncadd.s32 $0xFFFFFFB0  }
0x1d: {  	[tilespmem:s16], [sflag:$0x1] =	stream.indirect.gather [hbm4b:s3+s15], $0x80, s5, s15, $0xb8;
	[tilespmem:$0x18E00] =	vst v63  }
0x1e: {  	s24 =	sadd.s32 $0xA, s24  }
0x1f: {  	[tilespmem:s17], [sflag:$0x3] =	stream.linear.gather [hbm4b:s24+s5], $0x50, $0x38;
	[tilespmem:$0x18E00] =	vst v63  }
0x20: {  	_ =	swait.ge [sflag:s13], $0x50  }
0x21: {  	[sflag:s13] =	ssyncset.done $0x0  }
0x22: {  	s23 =	sadd.s32 $0xA, s31;
	[sflag:s13] =	ssyncadd.s32 $0xFFFFFFB0  }
0x23: {  	[tilespmem:s18], [sflag:$0x3] =	stream.linear.gather [hbm4b:s23+s5], $0x50, $0x38;
	[tilespmem:$0x18E00] =	vst v63  }
0x24: {  	_ =	swait.ge [sflag:s13], $0x50  }
0x25: {  	[sflag:s13] =	ssyncset.done $0x0  }
0x26: {  	[sflag:s13] =	ssyncadd.s32 $0xFFFFFFB0  }
0x27: {  	[tilespmem:s19], [sflag:$0x2] =	stream.indirect.gather [hbm4b:s3+s15], $0x80, s17, s15, $0xb8;
	[tilespmem:$0x18E00] =	vst v63  }
0x28: {  	_ =	swait.ge [sflag:s20], $0x2800  }
0x29: {  	[sflag:s20] =	ssyncset.done $0x0  }
0x2a: {  	[sflag:s20] =	ssyncadd.s32 $0xFFFFD800  }
0x2b: {  	[spmem:s4] =	stream.indirect.scatter.add.f32 [tilespmem:s16], [sflag:$0x3], $0x80, s14, s15, $0xb8;
	[tilespmem:$0x18E00] =	vst v63  }
0x2c: {  	_ =	swait.ge [sflag:s13], $0x2800  }
0x2d: {  	[sflag:s13] =	ssyncset.done $0x0  }
0x2e: {  	[sflag:s13] =	ssyncadd.s32 $0xFFFFD800  }
0x2f: {  	_ =	swait.ge [sflag:s21], $0x2800  }
0x30: {  	[sflag:s21] =	ssyncset.done $0x0  }
0x31: {  	[sflag:s21] =	ssyncadd.s32 $0xFFFFD800  }
0x32: {  	[spmem:s4] =	stream.indirect.scatter.add.f32 [tilespmem:s19], [sflag:$0x3], $0x80, s18, s15, $0xb8;
	[tilespmem:$0x18E00] =	vst v63  }
0x33: {  	_ =	swait.ge [sflag:s13], $0x2800  }
0x34: {  	[sflag:s13] =	ssyncset.done $0x0  }
0x35: {  	[sflag:s13] =	ssyncadd.s32 $0xFFFFD800  }
.LBB2_8:
0x36: {  	s22 =	sadd.s32 $0x1, s22  }
0x37: {  	p1 =	sne.s32 s22, s9  }
.Ltmp1:
0x38: {  	[bflag:$0x0] =	sbarrier.arrive $0xFFFF;
	(pc) =	sbr.rel @!p1 .LBB2_9-.Ltmp1, $4  }
0x39: {  	[hbm:s8], [sflag:s7] =	dma.local [spmem:s12], $0x2780  }
0x3a: {  	_ =	swait.ge [sflag:s13], $0x2780  }
0x3b: {  	[sflag:s13] =	ssyncset.done $0x0  }
0x3c: {  	[sflag:s13] =	ssyncadd.s32 $0xFFFFD880  }
.LBB2_1:
0x3d: {  	[spmem:s12], [sflag:s7] =	dma.local [hbm:s6], $0x2780  }
.Ltmp2:
0x3e: {  	_ =	swait.ge [sflag:s13], $0x2780;
	(pc) =	sbr.rel @!p0 .LBB2_2-.Ltmp2, $4  }
0x3f: {  	[sflag:s13] =	ssyncset.done $0x0  }
0x40: {  	[sflag:s13] =	ssyncadd.s32 $0xFFFFD880  }
0x41: {  	[bflag:$0x0] =	sbarrier.arrive $0xFFFF  }
0x42: {  	s23 =	sadd.s32 $0x0, s11  }
0x43: {  	[tilespmem:s5], [sflag:$0x3] =	stream.linear.gather [hbm4b:s23+s5], $0x50, $0x38;
	[tilespmem:$0x18E00] =	vst v63  }
0x44: {  	_ =	swait.ge [sflag:s13], $0x50  }
0x45: {  	[sflag:s13] =	ssyncset.done $0x0  }
0x46: {  	s24 =	sadd.s32 $0x0, s10;
	[sflag:s13] =	ssyncadd.s32 $0xFFFFFFB0  }
0x47: {  	[tilespmem:s14], [sflag:$0x3] =	stream.linear.gather [hbm4b:s24+s5], $0x50, $0x38;
	[tilespmem:$0x18E00] =	vst v63  }
0x48: {  	_ =	swait.ge [sflag:s13], $0x50  }
0x49: {  	[sflag:s13] =	ssyncset.done $0x0  }
0x4a: {  	[sflag:s13] =	ssyncadd.s32 $0xFFFFFFB0  }
0x4b: {  	[tilespmem:s16], [sflag:$0x1] =	stream.indirect.gather [hbm4b:s3+s15], $0x80, s5, s15, $0xb8;
	[tilespmem:$0x18E00] =	vst v63  }
0x4c: {  	s30 =	sadd.s32 $0xA, s23  }
0x4d: {  	[tilespmem:s17], [sflag:$0x3] =	stream.linear.gather [hbm4b:s30+s5], $0x50, $0x38;
	[tilespmem:$0x18E00] =	vst v63  }
0x4e: {  	_ =	swait.ge [sflag:s13], $0x50  }
0x4f: {  	[sflag:s13] =	ssyncset.done $0x0  }
0x50: {  	s31 =	sadd.s32 $0xA, s24;
	[sflag:s13] =	ssyncadd.s32 $0xFFFFFFB0  }
0x51: {  	[tilespmem:s18], [sflag:$0x3] =	stream.linear.gather [hbm4b:s31+s5], $0x50, $0x38;
	[tilespmem:$0x18E00] =	vst v63  }
0x52: {  	_ =	swait.ge [sflag:s13], $0x50  }
0x53: {  	[sflag:s13] =	ssyncset.done $0x0  }
0x54: {  	[sflag:s13] =	ssyncadd.s32 $0xFFFFFFB0  }
0x55: {  	[tilespmem:s19], [sflag:$0x2] =	stream.indirect.gather [hbm4b:s3+s15], $0x80, s17, s15, $0xb8;
	[tilespmem:$0x18E00] =	vst v63  }
0x56: {  	_ =	swait.ge [sflag:s20], $0x2800  }
0x57: {  	[sflag:s20] =	ssyncset.done $0x0  }
0x58: {  	[sflag:s20] =	ssyncadd.s32 $0xFFFFD800  }
0x59: {  	[spmem:s4] =	stream.indirect.scatter.add.f32 [tilespmem:s16], [sflag:$0x3], $0x80, s14, s15, $0xb8;
	[tilespmem:$0x18E00] =	vst v63  }
0x5a: {  	_ =	swait.ge [sflag:s13], $0x2800  }
0x5b: {  	[sflag:s13] =	ssyncset.done $0x0  }
0x5c: {  	[sflag:s13] =	ssyncadd.s32 $0xFFFFD800  }
0x5d: {  	_ =	swait.ge [sflag:s21], $0x2800  }
0x5e: {  	[sflag:s21] =	ssyncset.done $0x0  }
0x5f: {  	[sflag:s21] =	ssyncadd.s32 $0xFFFFD800  }
0x60: {  	[spmem:s4] =	stream.indirect.scatter.add.f32 [tilespmem:s19], [sflag:$0x3], $0x80, s18, s15, $0xb8;
	[tilespmem:$0x18E00] =	vst v63  }
0x61: {  	_ =	swait.ge [sflag:s13], $0x2800  }
0x62: {  	s23 =	simm.s32 $0x14;
	s25 =	simm.s32 $0x28;
	[sflag:s13] =	ssyncset.done $0x0  }
.LBB2_6:
0x63: {  	s26 =	sadd.s32 s23, s11  }
0x64: {  	[sflag:s13] =	ssyncadd.s32 $0xFFFFD800;
	s28 =	smov.u32 s25;
	s24 =	sadd.s32 $0x14, s25  }
0x65: {  	[tilespmem:s5], [sflag:$0x3] =	stream.linear.gather [hbm4b:s26+s5], $0x50, $0x38;
	[tilespmem:$0x18E00] =	vst v63  }
0x66: {  	p1 =	sne.s32 s25, $0x9B0;
	_ =	swait.ge [sflag:s13], $0x50  }
0x67: {  	[sflag:s13] =	ssyncset.done $0x0  }
0x68: {  	s25 =	sadd.s32 s23, s10;
	s23 =	smov.u32 s28;
	[sflag:s13] =	ssyncadd.s32 $0xFFFFFFB0  }
0x69: {  	[tilespmem:s14], [sflag:$0x3] =	stream.linear.gather [hbm4b:s25+s5], $0x50, $0x38;
	[tilespmem:$0x18E00] =	vst v63  }
0x6a: {  	_ =	swait.ge [sflag:s13], $0x50  }
0x6b: {  	[sflag:s13] =	ssyncset.done $0x0  }
0x6c: {  	[sflag:s13] =	ssyncadd.s32 $0xFFFFFFB0  }
0x6d: {  	[tilespmem:s16], [sflag:$0x1] =	stream.indirect.gather [hbm4b:s3+s15], $0x80, s5, s15, $0xb8;
	[tilespmem:$0x18E00] =	vst v63  }
0x6e: {  	s26 =	sadd.s32 $0xA, s26  }
0x6f: {  	[tilespmem:s17], [sflag:$0x3] =	stream.linear.gather [hbm4b:s26+s5], $0x50, $0x38;
	[tilespmem:$0x18E00] =	vst v63  }
0x70: {  	_ =	swait.ge [sflag:s13], $0x50  }
0x71: {  	[sflag:s13] =	ssyncset.done $0x0  }
0x72: {  	s25 =	sadd.s32 $0xA, s25;
	[sflag:s13] =	ssyncadd.s32 $0xFFFFFFB0  }
0x73: {  	[tilespmem:s18], [sflag:$0x3] =	stream.linear.gather [hbm4b:s25+s5], $0x50, $0x38;
	[tilespmem:$0x18E00] =	vst v63  }
0x74: {  	_ =	swait.ge [sflag:s13], $0x50  }
0x75: {  	[sflag:s13] =	ssyncset.done $0x0  }
0x76: {  	[sflag:s13] =	ssyncadd.s32 $0xFFFFFFB0  }
0x77: {  	[tilespmem:s19], [sflag:$0x2] =	stream.indirect.gather [hbm4b:s3+s15], $0x80, s17, s15, $0xb8;
	[tilespmem:$0x18E00] =	vst v63  }
0x78: {  	_ =	swait.ge [sflag:s20], $0x2800  }
0x79: {  	[sflag:s20] =	ssyncset.done $0x0  }
0x7a: {  	[sflag:s20] =	ssyncadd.s32 $0xFFFFD800  }
0x7b: {  	[spmem:s4] =	stream.indirect.scatter.add.f32 [tilespmem:s16], [sflag:$0x3], $0x80, s14, s15, $0xb8;
	[tilespmem:$0x18E00] =	vst v63  }
0x7c: {  	_ =	swait.ge [sflag:s13], $0x2800  }
0x7d: {  	[sflag:s13] =	ssyncset.done $0x0  }
0x7e: {  	[sflag:s13] =	ssyncadd.s32 $0xFFFFD800  }
0x7f: {  	_ =	swait.ge [sflag:s21], $0x2800  }
.Ltmp3:
0x80: {  	[sflag:s21] =	ssyncset.done $0x0;
	(pc) =	sbr.rel @p1 .LBB2_6-.Ltmp3, $4  }
0x81: {  	[sflag:s21] =	ssyncadd.s32 $0xFFFFD800  }
0x82: {  	[spmem:s4] =	stream.indirect.scatter.add.f32 [tilespmem:s19], [sflag:$0x3], $0x80, s18, s15, $0xb8;
	[tilespmem:$0x18E00] =	vst v63  }
0x83: {  	_ =	swait.ge [sflag:s13], $0x2800  }
0x84: {  	s25 =	smov.u32 s24;
	[sflag:s13] =	ssyncset.done $0x0  }
.Ltmp4:
0x85: {  	_ = 	snop;
	(pc) =	sbr.rel .LBB2_7-.Ltmp4, $1  }
0x86: {  	_ =	sdelay $0x3  }
.LBB2_2:
0x87: {  	[tilespmem:s5], [sflag:$0x3] =	stream.linear.gather [hbm4b:s23+s5], $0x50, $0x38;
	[tilespmem:$0x18E00] =	vst v63  }
0x88: {  	_ =	swait.ge [sflag:s13], $0x50  }
0x89: {  	[sflag:s13] =	ssyncset.done $0x0  }
0x8a: {  	s24 =	sadd.s32 $0x0, s10;
	[sflag:s13] =	ssyncadd.s32 $0xFFFFFFB0  }
0x8b: {  	[tilespmem:s14], [sflag:$0x3] =	stream.linear.gather [hbm4b:s24+s5], $0x50, $0x38;
	[tilespmem:$0x18E00] =	vst v63  }
0x8c: {  	_ =	swait.ge [sflag:s13], $0x50  }
0x8d: {  	[sflag:s13] =	ssyncset.done $0x0  }
0x8e: {  	[sflag:s13] =	ssyncadd.s32 $0xFFFFFFB0  }
0x8f: {  	[tilespmem:s16], [sflag:$0x1] =	stream.indirect.gather [hbm4b:s1+s15], $0x80, s5, s15, $0xb8;
	[tilespmem:$0x18E00] =	vst v63  }
0x90: {  	s30 =	sadd.s32 $0xA, s23  }
0x91: {  	[tilespmem:s17], [sflag:$0x3] =	stream.linear.gather [hbm4b:s30+s5], $0x50, $0x38;
	[tilespmem:$0x18E00] =	vst v63  }
0x92: {  	_ =	swait.ge [sflag:s13], $0x50  }
0x93: {  	[sflag:s13] =	ssyncset.done $0x0  }
0x94: {  	s31 =	sadd.s32 $0xA, s24;
	[sflag:s13] =	ssyncadd.s32 $0xFFFFFFB0  }
0x95: {  	[tilespmem:s18], [sflag:$0x3] =	stream.linear.gather [hbm4b:s31+s5], $0x50, $0x38;
	[tilespmem:$0x18E00] =	vst v63  }
0x96: {  	_ =	swait.ge [sflag:s13], $0x50  }
0x97: {  	[sflag:s13] =	ssyncset.done $0x0  }
0x98: {  	[sflag:s13] =	ssyncadd.s32 $0xFFFFFFB0  }
0x99: {  	[tilespmem:s19], [sflag:$0x2] =	stream.indirect.gather [hbm4b:s1+s15], $0x80, s17, s15, $0xb8;
	[tilespmem:$0x18E00] =	vst v63  }
0x9a: {  	_ =	swait.ge [sflag:s20], $0x2800  }
0x9b: {  	[sflag:s20] =	ssyncset.done $0x0  }
0x9c: {  	[sflag:s20] =	ssyncadd.s32 $0xFFFFD800  }
0x9d: {  	[spmem:s4] =	stream.indirect.scatter.add.f32 [tilespmem:s16], [sflag:$0x3], $0x80, s14, s15, $0xb8;
	[tilespmem:$0x18E00] =	vst v63  }
0x9e: {  	_ =	swait.ge [sflag:s13], $0x2800  }
0x9f: {  	[sflag:s13] =	ssyncset.done $0x0  }
0xa0: {  	[sflag:s13] =	ssyncadd.s32 $0xFFFFD800  }
0xa1: {  	_ =	swait.ge [sflag:s21], $0x2800  }
0xa2: {  	[sflag:s21] =	ssyncset.done $0x0  }
0xa3: {  	[sflag:s21] =	ssyncadd.s32 $0xFFFFD800  }
0xa4: {  	[spmem:s4] =	stream.indirect.scatter.add.f32 [tilespmem:s19], [sflag:$0x3], $0x80, s18, s15, $0xb8;
	[tilespmem:$0x18E00] =	vst v63  }
0xa5: {  	_ =	swait.ge [sflag:s13], $0x2800  }
0xa6: {  	s23 =	simm.s32 $0x14;
	s25 =	simm.s32 $0x28;
	[sflag:s13] =	ssyncset.done $0x0  }
.LBB2_3:
0xa7: {  	s26 =	sadd.s32 s23, s11  }
0xa8: {  	[sflag:s13] =	ssyncadd.s32 $0xFFFFD800;
	s28 =	smov.u32 s25;
	s24 =	sadd.s32 $0x14, s25  }
0xa9: {  	[tilespmem:s5], [sflag:$0x3] =	stream.linear.gather [hbm4b:s26+s5], $0x50, $0x38;
	[tilespmem:$0x18E00] =	vst v63  }
0xaa: {  	p1 =	seq.s32 s25, $0x9B0;
	_ =	swait.ge [sflag:s13], $0x50  }
0xab: {  	[sflag:s13] =	ssyncset.done $0x0  }
0xac: {  	s25 =	sadd.s32 s23, s10;
	s23 =	smov.u32 s28;
	[sflag:s13] =	ssyncadd.s32 $0xFFFFFFB0  }
0xad: {  	[tilespmem:s14], [sflag:$0x3] =	stream.linear.gather [hbm4b:s25+s5], $0x50, $0x38;
	[tilespmem:$0x18E00] =	vst v63  }
0xae: {  	_ =	swait.ge [sflag:s13], $0x50  }
0xaf: {  	[sflag:s13] =	ssyncset.done $0x0  }
0xb0: {  	[sflag:s13] =	ssyncadd.s32 $0xFFFFFFB0  }
0xb1: {  	[tilespmem:s16], [sflag:$0x1] =	stream.indirect.gather [hbm4b:s1+s15], $0x80, s5, s15, $0xb8;
	[tilespmem:$0x18E00] =	vst v63  }
0xb2: {  	s26 =	sadd.s32 $0xA, s26  }
0xb3: {  	[tilespmem:s17], [sflag:$0x3] =	stream.linear.gather [hbm4b:s26+s5], $0x50, $0x38;
	[tilespmem:$0x18E00] =	vst v63  }
0xb4: {  	_ =	swait.ge [sflag:s13], $0x50  }
0xb5: {  	[sflag:s13] =	ssyncset.done $0x0  }
0xb6: {  	s25 =	sadd.s32 $0xA, s25;
	[sflag:s13] =	ssyncadd.s32 $0xFFFFFFB0  }
0xb7: {  	[tilespmem:s18], [sflag:$0x3] =	stream.linear.gather [hbm4b:s25+s5], $0x50, $0x38;
	[tilespmem:$0x18E00] =	vst v63  }
0xb8: {  	_ =	swait.ge [sflag:s13], $0x50  }
0xb9: {  	[sflag:s13] =	ssyncset.done $0x0  }
0xba: {  	[sflag:s13] =	ssyncadd.s32 $0xFFFFFFB0  }
0xbb: {  	[tilespmem:s19], [sflag:$0x2] =	stream.indirect.gather [hbm4b:s1+s15], $0x80, s17, s15, $0xb8;
	[tilespmem:$0x18E00] =	vst v63  }
0xbc: {  	_ =	swait.ge [sflag:s20], $0x2800  }
0xbd: {  	[sflag:s20] =	ssyncset.done $0x0  }
0xbe: {  	[sflag:s20] =	ssyncadd.s32 $0xFFFFD800  }
0xbf: {  	[spmem:s4] =	stream.indirect.scatter.add.f32 [tilespmem:s16], [sflag:$0x3], $0x80, s14, s15, $0xb8;
	[tilespmem:$0x18E00] =	vst v63  }
0xc0: {  	_ =	swait.ge [sflag:s13], $0x2800  }
0xc1: {  	[sflag:s13] =	ssyncset.done $0x0  }
0xc2: {  	[sflag:s13] =	ssyncadd.s32 $0xFFFFD800  }
0xc3: {  	_ =	swait.ge [sflag:s21], $0x2800  }
.Ltmp5:
0xc4: {  	[sflag:s21] =	ssyncset.done $0x0;
	(pc) =	sbr.rel @!p1 .LBB2_3-.Ltmp5, $4  }
0xc5: {  	[sflag:s21] =	ssyncadd.s32 $0xFFFFD800  }
0xc6: {  	[spmem:s4] =	stream.indirect.scatter.add.f32 [tilespmem:s19], [sflag:$0x3], $0x80, s18, s15, $0xb8;
	[tilespmem:$0x18E00] =	vst v63  }
0xc7: {  	_ =	swait.ge [sflag:s13], $0x2800  }
0xc8: {  	s25 =	smov.u32 s24;
	[sflag:s13] =	ssyncset.done $0x0  }
0xc9: {  	s24 =	sadd.s32 s23, s11;
	[sflag:s13] =	ssyncadd.s32 $0xFFFFD800  }
0xca: {  	[tilespmem:s5], [sflag:$0x3] =	stream.linear.gather [hbm4b:s24+s5], $0x50, $0x38;
	[tilespmem:$0x18E00] =	vst v63  }
0xcb: {  	_ =	swait.ge [sflag:s13], $0x50  }
0xcc: {  	[sflag:s13] =	ssyncset.done $0x0  }
0xcd: {  	s31 =	sadd.s32 s23, s10;
	[sflag:s13] =	ssyncadd.s32 $0xFFFFFFB0  }
0xce: {  	[tilespmem:s14], [sflag:$0x3] =	stream.linear.gather [hbm4b:s31+s5], $0x50, $0x38;
	[tilespmem:$0x18E00] =	vst v63  }
0xcf: {  	_ =	swait.ge [sflag:s13], $0x50  }
0xd0: {  	[sflag:s13] =	ssyncset.done $0x0  }
0xd1: {  	[sflag:s13] =	ssyncadd.s32 $0xFFFFFFB0  }
0xd2: {  	[tilespmem:s16], [sflag:$0x1] =	stream.indirect.gather [hbm4b:s1+s15], $0x80, s5, s15, $0xb8;
	[tilespmem:$0x18E00] =	vst v63  }
0xd3: {  	s24 =	sadd.s32 $0xA, s24  }
0xd4: {  	[tilespmem:s17], [sflag:$0x3] =	stream.linear.gather [hbm4b:s24+s5], $0x50, $0x38;
	[tilespmem:$0x18E00] =	vst v63  }
0xd5: {  	_ =	swait.ge [sflag:s13], $0x50  }
0xd6: {  	[sflag:s13] =	ssyncset.done $0x0  }
0xd7: {  	s23 =	sadd.s32 $0xA, s31;
	[sflag:s13] =	ssyncadd.s32 $0xFFFFFFB0  }
0xd8: {  	[tilespmem:s18], [sflag:$0x3] =	stream.linear.gather [hbm4b:s23+s5], $0x50, $0x38;
	[tilespmem:$0x18E00] =	vst v63  }
0xd9: {  	_ =	swait.ge [sflag:s13], $0x50  }
0xda: {  	[sflag:s13] =	ssyncset.done $0x0  }
0xdb: {  	[sflag:s13] =	ssyncadd.s32 $0xFFFFFFB0  }
0xdc: {  	[tilespmem:s19], [sflag:$0x2] =	stream.indirect.gather [hbm4b:s1+s15], $0x80, s17, s15, $0xb8;
	[tilespmem:$0x18E00] =	vst v63  }
0xdd: {  	_ =	swait.ge [sflag:s20], $0x2800  }
0xde: {  	[sflag:s20] =	ssyncset.done $0x0  }
0xdf: {  	[sflag:s20] =	ssyncadd.s32 $0xFFFFD800  }
0xe0: {  	[spmem:s4] =	stream.indirect.scatter.add.f32 [tilespmem:s16], [sflag:$0x3], $0x80, s14, s15, $0xb8;
	[tilespmem:$0x18E00] =	vst v63  }
0xe1: {  	_ =	swait.ge [sflag:s13], $0x2800  }
0xe2: {  	[sflag:s13] =	ssyncset.done $0x0  }
0xe3: {  	[sflag:s13] =	ssyncadd.s32 $0xFFFFD800  }
0xe4: {  	_ =	swait.ge [sflag:s21], $0x2800  }
0xe5: {  	[sflag:s21] =	ssyncset.done $0x0  }
.Ltmp6:
0xe6: {  	[sflag:s21] =	ssyncadd.s32 $0xFFFFD800;
	(pc) =	sbr.rel .LBB2_8-.Ltmp6, $4  }
0xe7: {  	[spmem:s4] =	stream.indirect.scatter.add.f32 [tilespmem:s19], [sflag:$0x3], $0x80, s18, s15, $0xb8;
	[tilespmem:$0x18E00] =	vst v63  }
0xe8: {  	_ =	swait.ge [sflag:s13], $0x2800  }
0xe9: {  	[sflag:s13] =	ssyncset.done $0x0  }
0xea: {  	[sflag:s13] =	ssyncadd.s32 $0xFFFFD800  }
.LBB2_9:
0xeb: {  	_ =	sfence.sel $0x180000  }
0xec: {  	[bflag:$0x0] =	sbarrier.arrive $0xFFFF  }
0xed: {  	p0 =	sne.s32 s2, $0x0;
	_ =	strace $0x9000004A  }
0xee: {  	s0 =	sadd.s32 @!p0 $0x100000, s0;
	[bflag:$0x2] =	sbarrier.arrive $0xFFFF  }
0xef: {  	[sflag:s0] =	ssyncadd.tile.s32 @!p0 $0x1;
	_ =	shalt  }
.Lfunc_end2:
_tile_overlayer_lowered:
.L_overlay_start_2:
0xf0: {  	(tag) =	ssettag $0x2  }
0xf1: {  	s0 =	rddreg [dreg:$0x0];
	s2 =	stileid.u32  }
0xf2: {  	s1 =	rddreg [dreg:$0x1];
	p0 =	sne.s32 s2, $0x0  }
0xf3: {  	s3 =	rddreg [dreg:$0x2];
	[bflag:$0x3] =	sbarrier.arrive $0xFFFF;
	s2 =	simm.s32 @!p0 $0x1C03  }
0xf4: {  	[timem:s3], [sflag:s2] =	dma.local @!p0 [hbm:s0], s1  }
0xf5: {  	s0 =	simm.s32 @!p0 $0x3  }
0xf6: {  	_ =	swait.ge @!p0 [sflag:s0], s1  }
0xf7: {  	s1 =	ssub.s32 @!p0 $0x0, s1;
	[sflag:s0] =	ssyncset.done @!p0 $0x0  }
0xf8: {  	[sflag:s0] =	ssyncadd.s32 @!p0 s1  }
0xf9: {  	[bflag:$0x3] =	sbarrier.arrive $0xFFFF  }
0xfa: {  	_ =	shalt  }

</sc_bundles>
